<compile_context>
chip_gen: v7x
topology: tpu7x:2x2x1
jax: 0.10.2.dev20260603
libtpu: 0.0.44.dev20260713+nightly
codegen_flags: <defaults>
</compile_context>

<pallas_src>
import functools

import jax
import jax.numpy as jnp
from jax import lax
from jax.experimental import pallas as pl
from jax.experimental.pallas import tpu as pltpu
from jax.experimental.pallas import tpu_sc as plsc

D_MODEL = 768
NUM_ROWS = 6
BATCH = 16384

_info = plsc.get_sparse_core_info()
NUM_CORES = _info.num_cores
NUM_SUBCORES = _info.num_subcores
NUM_WORKERS = NUM_CORES * NUM_SUBCORES
B_PER_W = BATCH // NUM_WORKERS
LANES = 16
N_GROUPS = B_PER_W // LANES

_mesh = plsc.VectorSubcoreMesh(core_axis_name="c", subcore_axis_name="s")


@functools.partial(
    pl.kernel,
    mesh=_mesh,
    out_type=jax.ShapeDtypeStruct((BATCH, D_MODEL), jnp.float32),
    scratch_types=[
        pltpu.VMEM((B_PER_W,), jnp.int32),
        pltpu.VMEM((NUM_ROWS, D_MODEL), jnp.float32),
        pltpu.SemaphoreType.DMA,
    ],
)
def _emb_kernel(idx_hbm, table_hbm, out_hbm, idx_v, table_v, wsem):
    cid = lax.axis_index("c")
    sid = lax.axis_index("s")
    wid = sid * NUM_CORES + cid
    base = wid * B_PER_W

    pltpu.sync_copy(table_hbm, table_v)
    pltpu.sync_copy(idx_hbm.at[wid], idx_v)

    def group_body(g, _):
        v = idx_v[pl.ds(g * LANES, LANES)]
        b = base + g * LANES
        for l in range(LANES):
            e = v[l]
            pltpu.make_async_copy(
                table_v.at[e], out_hbm.at[b + l], wsem
            ).start()
        return 0

    lax.fori_loop(0, N_GROUPS, group_body, 0)

    pltpu.make_async_copy(
        out_hbm.at[pl.ds(base, B_PER_W)],
        out_hbm.at[pl.ds(base, B_PER_W)],
        wsem,
    ).wait()


def kernel(emotion_id, table):
    if emotion_id.ndim > 1:
        emotion_id = emotion_id.reshape(-1)
    idx = emotion_id.astype(jnp.int32).reshape(NUM_WORKERS, B_PER_W)
    return _emb_kernel(idx, table)

# --- scband reference (transcript-rebuilt; emitter-appended) ---
"""Pipeline reference for scband-emotion-embedding-62414464746003 (READ-ONLY COPY).

The authoritative reference and input builder live on the scoring server;
editing this copy changes nothing except your own understanding.
"""

import jax, jax.numpy as jnp
import numpy as np

D_MODEL = 768
NUM_EMOTIONS = 6
BATCH = 16384

def setup_inputs(seed: int = 0) -> dict:
    key = jax.random.key(seed)
    k_idx, k_w = jax.random.split(key)
    emotion_id = jax.random.randint(k_idx, (BATCH,), 0, NUM_EMOTIONS, dtype=jnp.int64 if jax.config.jax_enable_x64 else jnp.int32)
    table = jax.random.normal(k_w, (NUM_EMOTIONS, D_MODEL), dtype=jnp.float32) * 0.02
    return {"emotion_id": emotion_id, "table": table}

def reference(emotion_id, table):
    # forward: squeeze trailing dim if present, then embedding lookup
    if emotion_id.ndim > 1:
        emotion_id = jnp.squeeze(emotion_id, axis=-1)
    out = jnp.take(table, emotion_id, axis=0)  # [batch, d_model]
    return out

if __name__ == "__main__":
    import jax
    _d = setup_inputs()
    print(jax.jit(kernel)(*tuple(_d.values())))

</pallas_src>

<mosaic_0001>
#map = affine_map<(d0, d1) -> (0, 0)>
module attributes {stable_mosaic.version = 14 : i64} {
  func.func @_emb_kernel(%arg0: i32, %arg1: i32, %arg2: memref<32x512xi32, #tpu.memory_space<hbm>>, %arg3: memref<6x768xf32, #tpu.memory_space<hbm>>, %arg4: memref<16384x768xf32, #tpu.memory_space<hbm>>, %arg5: memref<512xi32, #tpu.memory_space<vmem>>, %arg6: memref<6x768xf32, #tpu.memory_space<vmem>>, %arg7: memref<!tpu.dma_semaphore, #tpu.memory_space<semaphore_mem>>) attributes {dimension_semantics = [#tpu.dimension_semantics<core_parallel>, #tpu.dimension_semantics<subcore_parallel>], iteration_bounds = array<i64: 2, 16>, scalar_prefetch = 0 : i64, scratch_operands = 3 : i64, tpu.core_type = #tpu.core_type<sc_vector_subcore>, window_params = [{transform_indices = #map}, {transform_indices = #map}, {transform_indices = #map}]} {
    %mul3A = arith.constant 2 : i32
    %mul3A_0 = arith.muli %arg1, %mul3A : i32
    %add3A = arith.addi %mul3A_0, %arg0 : i32
    %mul3A_1 = arith.constant 512 : i32
    %mul3A_2 = arith.muli %add3A, %mul3A_1 : i32
    "tpu.region"() ({
      %run_scoped3A = tpu.sem_alloc : memref<!tpu.dma_semaphore, #tpu.memory_space<semaphore_mem>>
      tpu.enqueue_dma source(%arg3 : memref<6x768xf32, #tpu.memory_space<hbm>>) target(%arg6 : memref<6x768xf32, #tpu.memory_space<vmem>>) target_semaphore(%run_scoped3A : memref<!tpu.dma_semaphore, #tpu.memory_space<semaphore_mem>>)
      tpu.wait_dma2 semaphore(%run_scoped3A : memref<!tpu.dma_semaphore, #tpu.memory_space<semaphore_mem>>) src(%arg3 : memref<6x768xf32, #tpu.memory_space<hbm>>) dst(%arg6 : memref<6x768xf32, #tpu.memory_space<vmem>>)
      tpu.yield
    }) : () -> ()
    "tpu.region"() ({
      %run_scoped3A = tpu.sem_alloc : memref<!tpu.dma_semaphore, #tpu.memory_space<semaphore_mem>>
      %dma_start3A = arith.constant 0 : i32
      %dma_start3A_12 = tpu.memref_slice %arg2[%add3A, %dma_start3A] : memref<32x512xi32, #tpu.memory_space<hbm>> -> memref<1x512xi32, #tpu.memory_space<hbm>>
      %dma_start3A_13 = tpu.memref_squeeze %dma_start3A_12 : memref<1x512xi32, #tpu.memory_space<hbm>> -> memref<512xi32, #tpu.memory_space<hbm>>
      %dma_start3A_14 = arith.constant 0 : i32
      %dma_start3A_15 = tpu.memref_slice %arg2[%add3A, %dma_start3A_14] : memref<32x512xi32, #tpu.memory_space<hbm>> -> memref<1x512xi32, #tpu.memory_space<hbm>>
      %dma_start3A_16 = tpu.memref_squeeze %dma_start3A_15 : memref<1x512xi32, #tpu.memory_space<hbm>> -> memref<512xi32, #tpu.memory_space<hbm>>
      tpu.enqueue_dma source(%dma_start3A_16 : memref<512xi32, #tpu.memory_space<hbm>>) target(%arg5 : memref<512xi32, #tpu.memory_space<vmem>>) target_semaphore(%run_scoped3A : memref<!tpu.dma_semaphore, #tpu.memory_space<semaphore_mem>>)
      %dma_wait3A_17 = arith.constant 0 : i32
      %dma_wait3A_18 = tpu.memref_slice %arg2[%add3A, %dma_wait3A_17] : memref<32x512xi32, #tpu.memory_space<hbm>> -> memref<1x512xi32, #tpu.memory_space<hbm>>
      %dma_wait3A_19 = tpu.memref_squeeze %dma_wait3A_18 : memref<1x512xi32, #tpu.memory_space<hbm>> -> memref<512xi32, #tpu.memory_space<hbm>>
      %dma_wait3A_20 = arith.constant 0 : i32
      %dma_wait3A_21 = tpu.memref_slice %arg2[%add3A, %dma_wait3A_20] : memref<32x512xi32, #tpu.memory_space<hbm>> -> memref<1x512xi32, #tpu.memory_space<hbm>>
      %dma_wait3A_22 = tpu.memref_squeeze %dma_wait3A_21 : memref<1x512xi32, #tpu.memory_space<hbm>> -> memref<512xi32, #tpu.memory_space<hbm>>
      tpu.wait_dma2 semaphore(%run_scoped3A : memref<!tpu.dma_semaphore, #tpu.memory_space<semaphore_mem>>) src(%dma_wait3A_22 : memref<512xi32, #tpu.memory_space<hbm>>) dst(%arg5 : memref<512xi32, #tpu.memory_space<vmem>>)
      tpu.yield
    }) : () -> ()
    %scan3A = arith.constant 0 : i32
    %scan3A_3 = arith.constant 0 : i32
    %scan3A_4 = arith.constant 32 : i32
    %scan3A_5 = arith.addi %scan3A_3, %scan3A_4 : i32
    %scan3A_6 = arith.constant 1 : i32
    %scan3A_7 = scf.for %scan3A_12 = %scan3A_3 to %scan3A_5 step %scan3A_6 iter_args(%scan3A_13 = %scan3A) -> (i32)  : i32 {
      %mul3A_14 = arith.constant 16 : i32
      %mul3A_15 = arith.muli %scan3A_12, %mul3A_14 : i32
      %get3A = arith.index_cast %mul3A_15 : i32 to index
      %get3A_16 = tpu.vector_load %arg5[%get3A] {strides = array<i32>} : memref<512xi32, #tpu.memory_space<vmem>>, vector<16xi32>,
      %get3A_17 = vector.shape_cast %get3A_16 : vector<16xi32> to vector<16xi32>
      %mul3A_18 = arith.constant 16 : i32
      %mul3A_19 = arith.muli %scan3A_12, %mul3A_18 : i32
      %add3A_20 = arith.addi %mul3A_2, %mul3A_19 : i32
      %slice3A = vector.extract_strided_slice %get3A_17 {offsets = [0], sizes = [1], strides = [1]} : vector<16xi32> to vector<1xi32>
      %squeeze3A = vector.extract %slice3A[0] : i32 from vector<1xi32>
      %add3A_21 = arith.constant 0 : i32
      %add3A_22 = arith.addi %add3A_20, %add3A_21 : i32
      %dma_start3A = arith.constant 0 : i32
      %dma_start3A_23 = tpu.memref_slice %arg6[%squeeze3A, %dma_start3A] : memref<6x768xf32, #tpu.memory_space<vmem>> -> memref<1x768xf32, #tpu.memory_space<vmem>>
      %dma_start3A_24 = tpu.memref_squeeze %dma_start3A_23 : memref<1x768xf32, #tpu.memory_space<vmem>> -> memref<768xf32, #tpu.memory_space<vmem>>
      %dma_start3A_25 = arith.constant 0 : i32
      %dma_start3A_26 = tpu.memref_slice %arg4[%add3A_22, %dma_start3A_25] : memref<16384x768xf32, #tpu.memory_space<hbm>> -> memref<1x768xf32, #tpu.memory_space<hbm>>
      %dma_start3A_27 = tpu.memref_squeeze %dma_start3A_26 : memref<1x768xf32, #tpu.memory_space<hbm>> -> memref<768xf32, #tpu.memory_space<hbm>>
      %dma_start3A_28 = arith.constant 0 : i32
      %dma_start3A_29 = tpu.memref_slice %arg4[%add3A_22, %dma_start3A_28] : memref<16384x768xf32, #tpu.memory_space<hbm>> -> memref<1x768xf32, #tpu.memory_space<hbm>>
      %dma_start3A_30 = tpu.memref_squeeze %dma_start3A_29 : memref<1x768xf32, #tpu.memory_space<hbm>> -> memref<768xf32, #tpu.memory_space<hbm>>
      %dma_start3A_31 = arith.constant 0 : i32
      %dma_start3A_32 = tpu.memref_slice %arg6[%squeeze3A, %dma_start3A_31] : memref<6x768xf32, #tpu.memory_space<vmem>> -> memref<1x768xf32, #tpu.memory_space<vmem>>
      %dma_start3A_33 = tpu.memref_squeeze %dma_start3A_32 : memref<1x768xf32, #tpu.memory_space<vmem>> -> memref<768xf32, #tpu.memory_space<vmem>>
      tpu.enqueue_dma source(%dma_start3A_33 : memref<768xf32, #tpu.memory_space<vmem>>) target(%dma_start3A_30 : memref<768xf32, #tpu.memory_space<hbm>>) target_semaphore(%arg7 : memref<!tpu.dma_semaphore, #tpu.memory_space<semaphore_mem>>)
      %slice3A_34 = vector.extract_strided_slice %get3A_17 {offsets = [1], sizes = [1], strides = [1]} : vector<16xi32> to vector<1xi32>
      %squeeze3A_35 = vector.extract %slice3A_34[0] : i32 from vector<1xi32>
      %add3A_36 = arith.constant 1 : i32
      %add3A_37 = arith.addi %add3A_20, %add3A_36 : i32
      %dma_start3A_38 = arith.constant 0 : i32
      %dma_start3A_39 = tpu.memref_slice %arg6[%squeeze3A_35, %dma_start3A_38] : memref<6x768xf32, #tpu.memory_space<vmem>> -> memref<1x768xf32, #tpu.memory_space<vmem>>
      %dma_start3A_40 = tpu.memref_squeeze %dma_start3A_39 : memref<1x768xf32, #tpu.memory_space<vmem>> -> memref<768xf32, #tpu.memory_space<vmem>>
      %dma_start3A_41 = arith.constant 0 : i32
      %dma_start3A_42 = tpu.memref_slice %arg4[%add3A_37, %dma_start3A_41] : memref<16384x768xf32, #tpu.memory_space<hbm>> -> memref<1x768xf32, #tpu.memory_space<hbm>>
      %dma_start3A_43 = tpu.memref_squeeze %dma_start3A_42 : memref<1x768xf32, #tpu.memory_space<hbm>> -> memref<768xf32, #tpu.memory_space<hbm>>
      %dma_start3A_44 = arith.constant 0 : i32
      %dma_start3A_45 = tpu.memref_slice %arg4[%add3A_37, %dma_start3A_44] : memref<16384x768xf32, #tpu.memory_space<hbm>> -> memref<1x768xf32, #tpu.memory_space<hbm>>
      %dma_start3A_46 = tpu.memref_squeeze %dma_start3A_45 : memref<1x768xf32, #tpu.memory_space<hbm>> -> memref<768xf32, #tpu.memory_space<hbm>>
      %dma_start3A_47 = arith.constant 0 : i32
      %dma_start3A_48 = tpu.memref_slice %arg6[%squeeze3A_35, %dma_start3A_47] : memref<6x768xf32, #tpu.memory_space<vmem>> -> memref<1x768xf32, #tpu.memory_space<vmem>>
      %dma_start3A_49 = tpu.memref_squeeze %dma_start3A_48 : memref<1x768xf32, #tpu.memory_space<vmem>> -> memref<768xf32, #tpu.memory_space<vmem>>
      tpu.enqueue_dma source(%dma_start3A_49 : memref<768xf32, #tpu.memory_space<vmem>>) target(%dma_start3A_46 : memref<768xf32, #tpu.memory_space<hbm>>) target_semaphore(%arg7 : memref<!tpu.dma_semaphore, #tpu.memory_space<semaphore_mem>>)
      %slice3A_50 = vector.extract_strided_slice %get3A_17 {offsets = [2], sizes = [1], strides = [1]} : vector<16xi32> to vector<1xi32>
      %squeeze3A_51 = vector.extract %slice3A_50[0] : i32 from vector<1xi32>
      %add3A_52 = arith.constant 2 : i32
      %add3A_53 = arith.addi %add3A_20, %add3A_52 : i32
      %dma_start3A_54 = arith.constant 0 : i32
      %dma_start3A_55 = tpu.memref_slice %arg6[%squeeze3A_51, %dma_start3A_54] : memref<6x768xf32, #tpu.memory_space<vmem>> -> memref<1x768xf32, #tpu.memory_space<vmem>>
      %dma_start3A_56 = tpu.memref_squeeze %dma_start3A_55 : memref<1x768xf32, #tpu.memory_space<vmem>> -> memref<768xf32, #tpu.memory_space<vmem>>
      %dma_start3A_57 = arith.constant 0 : i32
      %dma_start3A_58 = tpu.memref_slice %arg4[%add3A_53, %dma_start3A_57] : memref<16384x768xf32, #tpu.memory_space<hbm>> -> memref<1x768xf32, #tpu.memory_space<hbm>>
      %dma_start3A_59 = tpu.memref_squeeze %dma_start3A_58 : memref<1x768xf32, #tpu.memory_space<hbm>> -> memref<768xf32, #tpu.memory_space<hbm>>
      %dma_start3A_60 = arith.constant 0 : i32
      %dma_start3A_61 = tpu.memref_slice %arg4[%add3A_53, %dma_start3A_60] : memref<16384x768xf32, #tpu.memory_space<hbm>> -> memref<1x768xf32, #tpu.memory_space<hbm>>
      %dma_start3A_62 = tpu.memref_squeeze %dma_start3A_61 : memref<1x768xf32, #tpu.memory_space<hbm>> -> memref<768xf32, #tpu.memory_space<hbm>>
      %dma_start3A_63 = arith.constant 0 : i32
      %dma_start3A_64 = tpu.memref_slice %arg6[%squeeze3A_51, %dma_start3A_63] : memref<6x768xf32, #tpu.memory_space<vmem>> -> memref<1x768xf32, #tpu.memory_space<vmem>>
      %dma_start3A_65 = tpu.memref_squeeze %dma_start3A_64 : memref<1x768xf32, #tpu.memory_space<vmem>> -> memref<768xf32, #tpu.memory_space<vmem>>
      tpu.enqueue_dma source(%dma_start3A_65 : memref<768xf32, #tpu.memory_space<vmem>>) target(%dma_start3A_62 : memref<768xf32, #tpu.memory_space<hbm>>) target_semaphore(%arg7 : memref<!tpu.dma_semaphore, #tpu.memory_space<semaphore_mem>>)
      %slice3A_66 = vector.extract_strided_slice %get3A_17 {offsets = [3], sizes = [1], strides = [1]} : vector<16xi32> to vector<1xi32>
      %squeeze3A_67 = vector.extract %slice3A_66[0] : i32 from vector<1xi32>
      %add3A_68 = arith.constant 3 : i32
      %add3A_69 = arith.addi %add3A_20, %add3A_68 : i32
      %dma_start3A_70 = arith.constant 0 : i32
      %dma_start3A_71 = tpu.memref_slice %arg6[%squeeze3A_67, %dma_start3A_70] : memref<6x768xf32, #tpu.memory_space<vmem>> -> memref<1x768xf32, #tpu.memory_space<vmem>>
      %dma_start3A_72 = tpu.memref_squeeze %dma_start3A_71 : memref<1x768xf32, #tpu.memory_space<vmem>> -> memref<768xf32, #tpu.memory_space<vmem>>
      %dma_start3A_73 = arith.constant 0 : i32
      %dma_start3A_74 = tpu.memref_slice %arg4[%add3A_69, %dma_start3A_73] : memref<16384x768xf32, #tpu.memory_space<hbm>> -> memref<1x768xf32, #tpu.memory_space<hbm>>
      %dma_start3A_75 = tpu.memref_squeeze %dma_start3A_74 : memref<1x768xf32, #tpu.memory_space<hbm>> -> memref<768xf32, #tpu.memory_space<hbm>>
      %dma_start3A_76 = arith.constant 0 : i32
      %dma_start3A_77 = tpu.memref_slice %arg4[%add3A_69, %dma_start3A_76] : memref<16384x768xf32, #tpu.memory_space<hbm>> -> memref<1x768xf32, #tpu.memory_space<hbm>>
      %dma_start3A_78 = tpu.memref_squeeze %dma_start3A_77 : memref<1x768xf32, #tpu.memory_space<hbm>> -> memref<768xf32, #tpu.memory_space<hbm>>
      %dma_start3A_79 = arith.constant 0 : i32
      %dma_start3A_80 = tpu.memref_slice %arg6[%squeeze3A_67, %dma_start3A_79] : memref<6x768xf32, #tpu.memory_space<vmem>> -> memref<1x768xf32, #tpu.memory_space<vmem>>
      %dma_start3A_81 = tpu.memref_squeeze %dma_start3A_80 : memref<1x768xf32, #tpu.memory_space<vmem>> -> memref<768xf32, #tpu.memory_space<vmem>>
      tpu.enqueue_dma source(%dma_start3A_81 : memref<768xf32, #tpu.memory_space<vmem>>) target(%dma_start3A_78 : memref<768xf32, #tpu.memory_space<hbm>>) target_semaphore(%arg7 : memref<!tpu.dma_semaphore, #tpu.memory_space<semaphore_mem>>)
      %slice3A_82 = vector.extract_strided_slice %get3A_17 {offsets = [4], sizes = [1], strides = [1]} : vector<16xi32> to vector<1xi32>
      %squeeze3A_83 = vector.extract %slice3A_82[0] : i32 from vector<1xi32>
      %add3A_84 = arith.constant 4 : i32
      %add3A_85 = arith.addi %add3A_20, %add3A_84 : i32
      %dma_start3A_86 = arith.constant 0 : i32
      %dma_start3A_87 = tpu.memref_slice %arg6[%squeeze3A_83, %dma_start3A_86] : memref<6x768xf32, #tpu.memory_space<vmem>> -> memref<1x768xf32, #tpu.memory_space<vmem>>
      %dma_start3A_88 = tpu.memref_squeeze %dma_start3A_87 : memref<1x768xf32, #tpu.memory_space<vmem>> -> memref<768xf32, #tpu.memory_space<vmem>>
      %dma_start3A_89 = arith.constant 0 : i32
      %dma_start3A_90 = tpu.memref_slice %arg4[%add3A_85, %dma_start3A_89] : memref<16384x768xf32, #tpu.memory_space<hbm>> -> memref<1x768xf32, #tpu.memory_space<hbm>>
      %dma_start3A_91 = tpu.memref_squeeze %dma_start3A_90 : memref<1x768xf32, #tpu.memory_space<hbm>> -> memref<768xf32, #tpu.memory_space<hbm>>
      %dma_start3A_92 = arith.constant 0 : i32
      %dma_start3A_93 = tpu.memref_slice %arg4[%add3A_85, %dma_start3A_92] : memref<16384x768xf32, #tpu.memory_space<hbm>> -> memref<1x768xf32, #tpu.memory_space<hbm>>
      %dma_start3A_94 = tpu.memref_squeeze %dma_start3A_93 : memref<1x768xf32, #tpu.memory_space<hbm>> -> memref<768xf32, #tpu.memory_space<hbm>>
      %dma_start3A_95 = arith.constant 0 : i32
      %dma_start3A_96 = tpu.memref_slice %arg6[%squeeze3A_83, %dma_start3A_95] : memref<6x768xf32, #tpu.memory_space<vmem>> -> memref<1x768xf32, #tpu.memory_space<vmem>>
      %dma_start3A_97 = tpu.memref_squeeze %dma_start3A_96 : memref<1x768xf32, #tpu.memory_space<vmem>> -> memref<768xf32, #tpu.memory_space<vmem>>
      tpu.enqueue_dma source(%dma_start3A_97 : memref<768xf32, #tpu.memory_space<vmem>>) target(%dma_start3A_94 : memref<768xf32, #tpu.memory_space<hbm>>) target_semaphore(%arg7 : memref<!tpu.dma_semaphore, #tpu.memory_space<semaphore_mem>>)
      %slice3A_98 = vector.extract_strided_slice %get3A_17 {offsets = [5], sizes = [1], strides = [1]} : vector<16xi32> to vector<1xi32>
      %squeeze3A_99 = vector.extract %slice3A_98[0] : i32 from vector<1xi32>
      %add3A_100 = arith.constant 5 : i32
      %add3A_101 = arith.addi %add3A_20, %add3A_100 : i32
      %dma_start3A_102 = arith.constant 0 : i32
      %dma_start3A_103 = tpu.memref_slice %arg6[%squeeze3A_99, %dma_start3A_102] : memref<6x768xf32, #tpu.memory_space<vmem>> -> memref<1x768xf32, #tpu.memory_space<vmem>>
      %dma_start3A_104 = tpu.memref_squeeze %dma_start3A_103 : memref<1x768xf32, #tpu.memory_space<vmem>> -> memref<768xf32, #tpu.memory_space<vmem>>
      %dma_start3A_105 = arith.constant 0 : i32
      %dma_start3A_106 = tpu.memref_slice %arg4[%add3A_101, %dma_start3A_105] : memref<16384x768xf32, #tpu.memory_space<hbm>> -> memref<1x768xf32, #tpu.memory_space<hbm>>
      %dma_start3A_107 = tpu.memref_squeeze %dma_start3A_106 : memref<1x768xf32, #tpu.memory_space<hbm>> -> memref<768xf32, #tpu.memory_space<hbm>>
      %dma_start3A_108 = arith.constant 0 : i32
      %dma_start3A_109 = tpu.memref_slice %arg4[%add3A_101, %dma_start3A_108] : memref<16384x768xf32, #tpu.memory_space<hbm>> -> memref<1x768xf32, #tpu.memory_space<hbm>>
      %dma_start3A_110 = tpu.memref_squeeze %dma_start3A_109 : memref<1x768xf32, #tpu.memory_space<hbm>> -> memref<768xf32, #tpu.memory_space<hbm>>
      %dma_start3A_111 = arith.constant 0 : i32
      %dma_start3A_112 = tpu.memref_slice %arg6[%squeeze3A_99, %dma_start3A_111] : memref<6x768xf32, #tpu.memory_space<vmem>> -> memref<1x768xf32, #tpu.memory_space<vmem>>
      %dma_start3A_113 = tpu.memref_squeeze %dma_start3A_112 : memref<1x768xf32, #tpu.memory_space<vmem>> -> memref<768xf32, #tpu.memory_space<vmem>>
      tpu.enqueue_dma source(%dma_start3A_113 : memref<768xf32, #tpu.memory_space<vmem>>) target(%dma_start3A_110 : memref<768xf32, #tpu.memory_space<hbm>>) target_semaphore(%arg7 : memref<!tpu.dma_semaphore, #tpu.memory_space<semaphore_mem>>)
      %slice3A_114 = vector.extract_strided_slice %get3A_17 {offsets = [6], sizes = [1], strides = [1]} : vector<16xi32> to vector<1xi32>
      %squeeze3A_115 = vector.extract %slice3A_114[0] : i32 from vector<1xi32>
      %add3A_116 = arith.constant 6 : i32
      %add3A_117 = arith.addi %add3A_20, %add3A_116 : i32
      %dma_start3A_118 = arith.constant 0 : i32
      %dma_start3A_119 = tpu.memref_slice %arg6[%squeeze3A_115, %dma_start3A_118] : memref<6x768xf32, #tpu.memory_space<vmem>> -> memref<1x768xf32, #tpu.memory_space<vmem>>
      %dma_start3A_120 = tpu.memref_squeeze %dma_start3A_119 : memref<1x768xf32, #tpu.memory_space<vmem>> -> memref<768xf32, #tpu.memory_space<vmem>>
      %dma_start3A_121 = arith.constant 0 : i32
      %dma_start3A_122 = tpu.memref_slice %arg4[%add3A_117, %dma_start3A_121] : memref<16384x768xf32, #tpu.memory_space<hbm>> -> memref<1x768xf32, #tpu.memory_space<hbm>>
      %dma_start3A_123 = tpu.memref_squeeze %dma_start3A_122 : memref<1x768xf32, #tpu.memory_space<hbm>> -> memref<768xf32, #tpu.memory_space<hbm>>
      %dma_start3A_124 = arith.constant 0 : i32
      %dma_start3A_125 = tpu.memref_slice %arg4[%add3A_117, %dma_start3A_124] : memref<16384x768xf32, #tpu.memory_space<hbm>> -> memref<1x768xf32, #tpu.memory_space<hbm>>
      %dma_start3A_126 = tpu.memref_squeeze %dma_start3A_125 : memref<1x768xf32, #tpu.memory_space<hbm>> -> memref<768xf32, #tpu.memory_space<hbm>>
      %dma_start3A_127 = arith.constant 0 : i32
      %dma_start3A_128 = tpu.memref_slice %arg6[%squeeze3A_115, %dma_start3A_127] : memref<6x768xf32, #tpu.memory_space<vmem>> -> memref<1x768xf32, #tpu.memory_space<vmem>>
      %dma_start3A_129 = tpu.memref_squeeze %dma_start3A_128 : memref<1x768xf32, #tpu.memory_space<vmem>> -> memref<768xf32, #tpu.memory_space<vmem>>
      tpu.enqueue_dma source(%dma_start3A_129 : memref<768xf32, #tpu.memory_space<vmem>>) target(%dma_start3A_126 : memref<768xf32, #tpu.memory_space<hbm>>) target_semaphore(%arg7 : memref<!tpu.dma_semaphore, #tpu.memory_space<semaphore_mem>>)
      %slice3A_130 = vector.extract_strided_slice %get3A_17 {offsets = [7], sizes = [1], strides = [1]} : vector<16xi32> to vector<1xi32>
      %squeeze3A_131 = vector.extract %slice3A_130[0] : i32 from vector<1xi32>
      %add3A_132 = arith.constant 7 : i32
      %add3A_133 = arith.addi %add3A_20, %add3A_132 : i32
      %dma_start3A_134 = arith.constant 0 : i32
      %dma_start3A_135 = tpu.memref_slice %arg6[%squeeze3A_131, %dma_start3A_134] : memref<6x768xf32, #tpu.memory_space<vmem>> -> memref<1x768xf32, #tpu.memory_space<vmem>>
      %dma_start3A_136 = tpu.memref_squeeze %dma_start3A_135 : memref<1x768xf32, #tpu.memory_space<vmem>> -> memref<768xf32, #tpu.memory_space<vmem>>
      %dma_start3A_137 = arith.constant 0 : i32
      %dma_start3A_138 = tpu.memref_slice %arg4[%add3A_133, %dma_start3A_137] : memref<16384x768xf32, #tpu.memory_space<hbm>> -> memref<1x768xf32, #tpu.memory_space<hbm>>
      %dma_start3A_139 = tpu.memref_squeeze %dma_start3A_138 : memref<1x768xf32, #tpu.memory_space<hbm>> -> memref<768xf32, #tpu.memory_space<hbm>>
      %dma_start3A_140 = arith.constant 0 : i32
      %dma_start3A_141 = tpu.memref_slice %arg4[%add3A_133, %dma_start3A_140] : memref<16384x768xf32, #tpu.memory_space<hbm>> -> memref<1x768xf32, #tpu.memory_space<hbm>>
      %dma_start3A_142 = tpu.memref_squeeze %dma_start3A_141 : memref<1x768xf32, #tpu.memory_space<hbm>> -> memref<768xf32, #tpu.memory_space<hbm>>
      %dma_start3A_143 = arith.constant 0 : i32
      %dma_start3A_144 = tpu.memref_slice %arg6[%squeeze3A_131, %dma_start3A_143] : memref<6x768xf32, #tpu.memory_space<vmem>> -> memref<1x768xf32, #tpu.memory_space<vmem>>
      %dma_start3A_145 = tpu.memref_squeeze %dma_start3A_144 : memref<1x768xf32, #tpu.memory_space<vmem>> -> memref<768xf32, #tpu.memory_space<vmem>>
      tpu.enqueue_dma source(%dma_start3A_145 : memref<768xf32, #tpu.memory_space<vmem>>) target(%dma_start3A_142 : memref<768xf32, #tpu.memory_space<hbm>>) target_semaphore(%arg7 : memref<!tpu.dma_semaphore, #tpu.memory_space<semaphore_mem>>)
      %slice3A_146 = vector.extract_strided_slice %get3A_17 {offsets = [8], sizes = [1], strides = [1]} : vector<16xi32> to vector<1xi32>
      %squeeze3A_147 = vector.extract %slice3A_146[0] : i32 from vector<1xi32>
      %add3A_148 = arith.constant 8 : i32
      %add3A_149 = arith.addi %add3A_20, %add3A_148 : i32
      %dma_start3A_150 = arith.constant 0 : i32
      %dma_start3A_151 = tpu.memref_slice %arg6[%squeeze3A_147, %dma_start3A_150] : memref<6x768xf32, #tpu.memory_space<vmem>> -> memref<1x768xf32, #tpu.memory_space<vmem>>
      %dma_start3A_152 = tpu.memref_squeeze %dma_start3A_151 : memref<1x768xf32, #tpu.memory_space<vmem>> -> memref<768xf32, #tpu.memory_space<vmem>>
      %dma_start3A_153 = arith.constant 0 : i32
      %dma_start3A_154 = tpu.memref_slice %arg4[%add3A_149, %dma_start3A_153] : memref<16384x768xf32, #tpu.memory_space<hbm>> -> memref<1x768xf32, #tpu.memory_space<hbm>>
      %dma_start3A_155 = tpu.memref_squeeze %dma_start3A_154 : memref<1x768xf32, #tpu.memory_space<hbm>> -> memref<768xf32, #tpu.memory_space<hbm>>
      %dma_start3A_156 = arith.constant 0 : i32
      %dma_start3A_157 = tpu.memref_slice %arg4[%add3A_149, %dma_start3A_156] : memref<16384x768xf32, #tpu.memory_space<hbm>> -> memref<1x768xf32, #tpu.memory_space<hbm>>
      %dma_start3A_158 = tpu.memref_squeeze %dma_start3A_157 : memref<1x768xf32, #tpu.memory_space<hbm>> -> memref<768xf32, #tpu.memory_space<hbm>>
      %dma_start3A_159 = arith.constant 0 : i32
      %dma_start3A_160 = tpu.memref_slice %arg6[%squeeze3A_147, %dma_start3A_159] : memref<6x768xf32, #tpu.memory_space<vmem>> -> memref<1x768xf32, #tpu.memory_space<vmem>>
      %dma_start3A_161 = tpu.memref_squeeze %dma_start3A_160 : memref<1x768xf32, #tpu.memory_space<vmem>> -> memref<768xf32, #tpu.memory_space<vmem>>
      tpu.enqueue_dma source(%dma_start3A_161 : memref<768xf32, #tpu.memory_space<vmem>>) target(%dma_start3A_158 : memref<768xf32, #tpu.memory_space<hbm>>) target_semaphore(%arg7 : memref<!tpu.dma_semaphore, #tpu.memory_space<semaphore_mem>>)
      %slice3A_162 = vector.extract_strided_slice %get3A_17 {offsets = [9], sizes = [1], strides = [1]} : vector<16xi32> to vector<1xi32>
      %squeeze3A_163 = vector.extract %slice3A_162[0] : i32 from vector<1xi32>
      %add3A_164 = arith.constant 9 : i32
      %add3A_165 = arith.addi %add3A_20, %add3A_164 : i32
      %dma_start3A_166 = arith.constant 0 : i32
      %dma_start3A_167 = tpu.memref_slice %arg6[%squeeze3A_163, %dma_start3A_166] : memref<6x768xf32, #tpu.memory_space<vmem>> -> memref<1x768xf32, #tpu.memory_space<vmem>>
      %dma_start3A_168 = tpu.memref_squeeze %dma_start3A_167 : memref<1x768xf32, #tpu.memory_space<vmem>> -> memref<768xf32, #tpu.memory_space<vmem>>
      %dma_start3A_169 = arith.constant 0 : i32
      %dma_start3A_170 = tpu.memref_slice %arg4[%add3A_165, %dma_start3A_169] : memref<16384x768xf32, #tpu.memory_space<hbm>> -> memref<1x768xf32, #tpu.memory_space<hbm>>
      %dma_start3A_171 = tpu.memref_squeeze %dma_start3A_170 : memref<1x768xf32, #tpu.memory_space<hbm>> -> memref<768xf32, #tpu.memory_space<hbm>>
      %dma_start3A_172 = arith.constant 0 : i32
      %dma_start3A_173 = tpu.memref_slice %arg4[%add3A_165, %dma_start3A_172] : memref<16384x768xf32, #tpu.memory_space<hbm>> -> memref<1x768xf32, #tpu.memory_space<hbm>>
      %dma_start3A_174 = tpu.memref_squeeze %dma_start3A_173 : memref<1x768xf32, #tpu.memory_space<hbm>> -> memref<768xf32, #tpu.memory_space<hbm>>
      %dma_start3A_175 = arith.constant 0 : i32
      %dma_start3A_176 = tpu.memref_slice %arg6[%squeeze3A_163, %dma_start3A_175] : memref<6x768xf32, #tpu.memory_space<vmem>> -> memref<1x768xf32, #tpu.memory_space<vmem>>
      %dma_start3A_177 = tpu.memref_squeeze %dma_start3A_176 : memref<1x768xf32, #tpu.memory_space<vmem>> -> memref<768xf32, #tpu.memory_space<vmem>>
      tpu.enqueue_dma source(%dma_start3A_177 : memref<768xf32, #tpu.memory_space<vmem>>) target(%dma_start3A_174 : memref<768xf32, #tpu.memory_space<hbm>>) target_semaphore(%arg7 : memref<!tpu.dma_semaphore, #tpu.memory_space<semaphore_mem>>)
      %slice3A_178 = vector.extract_strided_slice %get3A_17 {offsets = [10], sizes = [1], strides = [1]} : vector<16xi32> to vector<1xi32>
      %squeeze3A_179 = vector.extract %slice3A_178[0] : i32 from vector<1xi32>
      %add3A_180 = arith.constant 10 : i32
      %add3A_181 = arith.addi %add3A_20, %add3A_180 : i32
      %dma_start3A_182 = arith.constant 0 : i32
      %dma_start3A_183 = tpu.memref_slice %arg6[%squeeze3A_179, %dma_start3A_182] : memref<6x768xf32, #tpu.memory_space<vmem>> -> memref<1x768xf32, #tpu.memory_space<vmem>>
      %dma_start3A_184 = tpu.memref_squeeze %dma_start3A_183 : memref<1x768xf32, #tpu.memory_space<vmem>> -> memref<768xf32, #tpu.memory_space<vmem>>
      %dma_start3A_185 = arith.constant 0 : i32
      %dma_start3A_186 = tpu.memref_slice %arg4[%add3A_181, %dma_start3A_185] : memref<16384x768xf32, #tpu.memory_space<hbm>> -> memref<1x768xf32, #tpu.memory_space<hbm>>
      %dma_start3A_187 = tpu.memref_squeeze %dma_start3A_186 : memref<1x768xf32, #tpu.memory_space<hbm>> -> memref<768xf32, #tpu.memory_space<hbm>>
      %dma_start3A_188 = arith.constant 0 : i32
      %dma_start3A_189 = tpu.memref_slice %arg4[%add3A_181, %dma_start3A_188] : memref<16384x768xf32, #tpu.memory_space<hbm>> -> memref<1x768xf32, #tpu.memory_space<hbm>>
      %dma_start3A_190 = tpu.memref_squeeze %dma_start3A_189 : memref<1x768xf32, #tpu.memory_space<hbm>> -> memref<768xf32, #tpu.memory_space<hbm>>
      %dma_start3A_191 = arith.constant 0 : i32
      %dma_start3A_192 = tpu.memref_slice %arg6[%squeeze3A_179, %dma_start3A_191] : memref<6x768xf32, #tpu.memory_space<vmem>> -> memref<1x768xf32, #tpu.memory_space<vmem>>
      %dma_start3A_193 = tpu.memref_squeeze %dma_start3A_192 : memref<1x768xf32, #tpu.memory_space<vmem>> -> memref<768xf32, #tpu.memory_space<vmem>>
      tpu.enqueue_dma source(%dma_start3A_193 : memref<768xf32, #tpu.memory_space<vmem>>) target(%dma_start3A_190 : memref<768xf32, #tpu.memory_space<hbm>>) target_semaphore(%arg7 : memref<!tpu.dma_semaphore, #tpu.memory_space<semaphore_mem>>)
      %slice3A_194 = vector.extract_strided_slice %get3A_17 {offsets = [11], sizes = [1], strides = [1]} : vector<16xi32> to vector<1xi32>
      %squeeze3A_195 = vector.extract %slice3A_194[0] : i32 from vector<1xi32>
      %add3A_196 = arith.constant 11 : i32
      %add3A_197 = arith.addi %add3A_20, %add3A_196 : i32
      %dma_start3A_198 = arith.constant 0 : i32
      %dma_start3A_199 = tpu.memref_slice %arg6[%squeeze3A_195, %dma_start3A_198] : memref<6x768xf32, #tpu.memory_space<vmem>> -> memref<1x768xf32, #tpu.memory_space<vmem>>
      %dma_start3A_200 = tpu.memref_squeeze %dma_start3A_199 : memref<1x768xf32, #tpu.memory_space<vmem>> -> memref<768xf32, #tpu.memory_space<vmem>>
      %dma_start3A_201 = arith.constant 0 : i32
      %dma_start3A_202 = tpu.memref_slice %arg4[%add3A_197, %dma_start3A_201] : memref<16384x768xf32, #tpu.memory_space<hbm>> -> memref<1x768xf32, #tpu.memory_space<hbm>>
      %dma_start3A_203 = tpu.memref_squeeze %dma_start3A_202 : memref<1x768xf32, #tpu.memory_space<hbm>> -> memref<768xf32, #tpu.memory_space<hbm>>
      %dma_start3A_204 = arith.constant 0 : i32
      %dma_start3A_205 = tpu.memref_slice %arg4[%add3A_197, %dma_start3A_204] : memref<16384x768xf32, #tpu.memory_space<hbm>> -> memref<1x768xf32, #tpu.memory_space<hbm>>
      %dma_start3A_206 = tpu.memref_squeeze %dma_start3A_205 : memref<1x768xf32, #tpu.memory_space<hbm>> -> memref<768xf32, #tpu.memory_space<hbm>>
      %dma_start3A_207 = arith.constant 0 : i32
      %dma_start3A_208 = tpu.memref_slice %arg6[%squeeze3A_195, %dma_start3A_207] : memref<6x768xf32, #tpu.memory_space<vmem>> -> memref<1x768xf32, #tpu.memory_space<vmem>>
      %dma_start3A_209 = tpu.memref_squeeze %dma_start3A_208 : memref<1x768xf32, #tpu.memory_space<vmem>> -> memref<768xf32, #tpu.memory_space<vmem>>
      tpu.enqueue_dma source(%dma_start3A_209 : memref<768xf32, #tpu.memory_space<vmem>>) target(%dma_start3A_206 : memref<768xf32, #tpu.memory_space<hbm>>) target_semaphore(%arg7 : memref<!tpu.dma_semaphore, #tpu.memory_space<semaphore_mem>>)
      %slice3A_210 = vector.extract_strided_slice %get3A_17 {offsets = [12], sizes = [1], strides = [1]} : vector<16xi32> to vector<1xi32>
      %squeeze3A_211 = vector.extract %slice3A_210[0] : i32 from vector<1xi32>
      %add3A_212 = arith.constant 12 : i32
      %add3A_213 = arith.addi %add3A_20, %add3A_212 : i32
      %dma_start3A_214 = arith.constant 0 : i32
      %dma_start3A_215 = tpu.memref_slice %arg6[%squeeze3A_211, %dma_start3A_214] : memref<6x768xf32, #tpu.memory_space<vmem>> -> memref<1x768xf32, #tpu.memory_space<vmem>>
      %dma_start3A_216 = tpu.memref_squeeze %dma_start3A_215 : memref<1x768xf32, #tpu.memory_space<vmem>> -> memref<768xf32, #tpu.memory_space<vmem>>
      %dma_start3A_217 = arith.constant 0 : i32
      %dma_start3A_218 = tpu.memref_slice %arg4[%add3A_213, %dma_start3A_217] : memref<16384x768xf32, #tpu.memory_space<hbm>> -> memref<1x768xf32, #tpu.memory_space<hbm>>
      %dma_start3A_219 = tpu.memref_squeeze %dma_start3A_218 : memref<1x768xf32, #tpu.memory_space<hbm>> -> memref<768xf32, #tpu.memory_space<hbm>>
      %dma_start3A_220 = arith.constant 0 : i32
      %dma_start3A_221 = tpu.memref_slice %arg4[%add3A_213, %dma_start3A_220] : memref<16384x768xf32, #tpu.memory_space<hbm>> -> memref<1x768xf32, #tpu.memory_space<hbm>>
      %dma_start3A_222 = tpu.memref_squeeze %dma_start3A_221 : memref<1x768xf32, #tpu.memory_space<hbm>> -> memref<768xf32, #tpu.memory_space<hbm>>
      %dma_start3A_223 = arith.constant 0 : i32
      %dma_start3A_224 = tpu.memref_slice %arg6[%squeeze3A_211, %dma_start3A_223] : memref<6x768xf32, #tpu.memory_space<vmem>> -> memref<1x768xf32, #tpu.memory_space<vmem>>
      %dma_start3A_225 = tpu.memref_squeeze %dma_start3A_224 : memref<1x768xf32, #tpu.memory_space<vmem>> -> memref<768xf32, #tpu.memory_space<vmem>>
      tpu.enqueue_dma source(%dma_start3A_225 : memref<768xf32, #tpu.memory_space<vmem>>) target(%dma_start3A_222 : memref<768xf32, #tpu.memory_space<hbm>>) target_semaphore(%arg7 : memref<!tpu.dma_semaphore, #tpu.memory_space<semaphore_mem>>)
      %slice3A_226 = vector.extract_strided_slice %get3A_17 {offsets = [13], sizes = [1], strides = [1]} : vector<16xi32> to vector<1xi32>
      %squeeze3A_227 = vector.extract %slice3A_226[0] : i32 from vector<1xi32>
      %add3A_228 = arith.constant 13 : i32
      %add3A_229 = arith.addi %add3A_20, %add3A_228 : i32
      %dma_start3A_230 = arith.constant 0 : i32
      %dma_start3A_231 = tpu.memref_slice %arg6[%squeeze3A_227, %dma_start3A_230] : memref<6x768xf32, #tpu.memory_space<vmem>> -> memref<1x768xf32, #tpu.memory_space<vmem>>
      %dma_start3A_232 = tpu.memref_squeeze %dma_start3A_231 : memref<1x768xf32, #tpu.memory_space<vmem>> -> memref<768xf32, #tpu.memory_space<vmem>>
      %dma_start3A_233 = arith.constant 0 : i32
      %dma_start3A_234 = tpu.memref_slice %arg4[%add3A_229, %dma_start3A_233] : memref<16384x768xf32, #tpu.memory_space<hbm>> -> memref<1x768xf32, #tpu.memory_space<hbm>>
      %dma_start3A_235 = tpu.memref_squeeze %dma_start3A_234 : memref<1x768xf32, #tpu.memory_space<hbm>> -> memref<768xf32, #tpu.memory_space<hbm>>
      %dma_start3A_236 = arith.constant 0 : i32
      %dma_start3A_237 = tpu.memref_slice %arg4[%add3A_229, %dma_start3A_236] : memref<16384x768xf32, #tpu.memory_space<hbm>> -> memref<1x768xf32, #tpu.memory_space<hbm>>
      %dma_start3A_238 = tpu.memref_squeeze %dma_start3A_237 : memref<1x768xf32, #tpu.memory_space<hbm>> -> memref<768xf32, #tpu.memory_space<hbm>>
      %dma_start3A_239 = arith.constant 0 : i32
      %dma_start3A_240 = tpu.memref_slice %arg6[%squeeze3A_227, %dma_start3A_239] : memref<6x768xf32, #tpu.memory_space<vmem>> -> memref<1x768xf32, #tpu.memory_space<vmem>>
      %dma_start3A_241 = tpu.memref_squeeze %dma_start3A_240 : memref<1x768xf32, #tpu.memory_space<vmem>> -> memref<768xf32, #tpu.memory_space<vmem>>
      tpu.enqueue_dma source(%dma_start3A_241 : memref<768xf32, #tpu.memory_space<vmem>>) target(%dma_start3A_238 : memref<768xf32, #tpu.memory_space<hbm>>) target_semaphore(%arg7 : memref<!tpu.dma_semaphore, #tpu.memory_space<semaphore_mem>>)
      %slice3A_242 = vector.extract_strided_slice %get3A_17 {offsets = [14], sizes = [1], strides = [1]} : vector<16xi32> to vector<1xi32>
      %squeeze3A_243 = vector.extract %slice3A_242[0] : i32 from vector<1xi32>
      %add3A_244 = arith.constant 14 : i32
      %add3A_245 = arith.addi %add3A_20, %add3A_244 : i32
      %dma_start3A_246 = arith.constant 0 : i32
      %dma_start3A_247 = tpu.memref_slice %arg6[%squeeze3A_243, %dma_start3A_246] : memref<6x768xf32, #tpu.memory_space<vmem>> -> memref<1x768xf32, #tpu.memory_space<vmem>>
      %dma_start3A_248 = tpu.memref_squeeze %dma_start3A_247 : memref<1x768xf32, #tpu.memory_space<vmem>> -> memref<768xf32, #tpu.memory_space<vmem>>
      %dma_start3A_249 = arith.constant 0 : i32
      %dma_start3A_250 = tpu.memref_slice %arg4[%add3A_245, %dma_start3A_249] : memref<16384x768xf32, #tpu.memory_space<hbm>> -> memref<1x768xf32, #tpu.memory_space<hbm>>
      %dma_start3A_251 = tpu.memref_squeeze %dma_start3A_250 : memref<1x768xf32, #tpu.memory_space<hbm>> -> memref<768xf32, #tpu.memory_space<hbm>>
      %dma_start3A_252 = arith.constant 0 : i32
      %dma_start3A_253 = tpu.memref_slice %arg4[%add3A_245, %dma_start3A_252] : memref<16384x768xf32, #tpu.memory_space<hbm>> -> memref<1x768xf32, #tpu.memory_space<hbm>>
      %dma_start3A_254 = tpu.memref_squeeze %dma_start3A_253 : memref<1x768xf32, #tpu.memory_space<hbm>> -> memref<768xf32, #tpu.memory_space<hbm>>
      %dma_start3A_255 = arith.constant 0 : i32
      %dma_start3A_256 = tpu.memref_slice %arg6[%squeeze3A_243, %dma_start3A_255] : memref<6x768xf32, #tpu.memory_space<vmem>> -> memref<1x768xf32, #tpu.memory_space<vmem>>
      %dma_start3A_257 = tpu.memref_squeeze %dma_start3A_256 : memref<1x768xf32, #tpu.memory_space<vmem>> -> memref<768xf32, #tpu.memory_space<vmem>>
      tpu.enqueue_dma source(%dma_start3A_257 : memref<768xf32, #tpu.memory_space<vmem>>) target(%dma_start3A_254 : memref<768xf32, #tpu.memory_space<hbm>>) target_semaphore(%arg7 : memref<!tpu.dma_semaphore, #tpu.memory_space<semaphore_mem>>)
      %slice3A_258 = vector.extract_strided_slice %get3A_17 {offsets = [15], sizes = [1], strides = [1]} : vector<16xi32> to vector<1xi32>
      %squeeze3A_259 = vector.extract %slice3A_258[0] : i32 from vector<1xi32>
      %add3A_260 = arith.constant 15 : i32
      %add3A_261 = arith.addi %add3A_20, %add3A_260 : i32
      %dma_start3A_262 = arith.constant 0 : i32
      %dma_start3A_263 = tpu.memref_slice %arg6[%squeeze3A_259, %dma_start3A_262] : memref<6x768xf32, #tpu.memory_space<vmem>> -> memref<1x768xf32, #tpu.memory_space<vmem>>
      %dma_start3A_264 = tpu.memref_squeeze %dma_start3A_263 : memref<1x768xf32, #tpu.memory_space<vmem>> -> memref<768xf32, #tpu.memory_space<vmem>>
      %dma_start3A_265 = arith.constant 0 : i32
      %dma_start3A_266 = tpu.memref_slice %arg4[%add3A_261, %dma_start3A_265] : memref<16384x768xf32, #tpu.memory_space<hbm>> -> memref<1x768xf32, #tpu.memory_space<hbm>>
      %dma_start3A_267 = tpu.memref_squeeze %dma_start3A_266 : memref<1x768xf32, #tpu.memory_space<hbm>> -> memref<768xf32, #tpu.memory_space<hbm>>
      %dma_start3A_268 = arith.constant 0 : i32
      %dma_start3A_269 = tpu.memref_slice %arg4[%add3A_261, %dma_start3A_268] : memref<16384x768xf32, #tpu.memory_space<hbm>> -> memref<1x768xf32, #tpu.memory_space<hbm>>
      %dma_start3A_270 = tpu.memref_squeeze %dma_start3A_269 : memref<1x768xf32, #tpu.memory_space<hbm>> -> memref<768xf32, #tpu.memory_space<hbm>>
      %dma_start3A_271 = arith.constant 0 : i32
      %dma_start3A_272 = tpu.memref_slice %arg6[%squeeze3A_259, %dma_start3A_271] : memref<6x768xf32, #tpu.memory_space<vmem>> -> memref<1x768xf32, #tpu.memory_space<vmem>>
      %dma_start3A_273 = tpu.memref_squeeze %dma_start3A_272 : memref<1x768xf32, #tpu.memory_space<vmem>> -> memref<768xf32, #tpu.memory_space<vmem>>
      tpu.enqueue_dma source(%dma_start3A_273 : memref<768xf32, #tpu.memory_space<vmem>>) target(%dma_start3A_270 : memref<768xf32, #tpu.memory_space<hbm>>) target_semaphore(%arg7 : memref<!tpu.dma_semaphore, #tpu.memory_space<semaphore_mem>>)
      %scan3A_274 = arith.constant 0 : i32
      scf.yield %scan3A_274 : i32
    }
    %scan3A_8 = arith.constant 32 : i32
    %dma_wait3A = arith.constant 0 : i32
    %dma_wait3A_9 = tpu.memref_slice %arg4[%mul3A_2, %dma_wait3A] : memref<16384x768xf32, #tpu.memory_space<hbm>> -> memref<512x768xf32, #tpu.memory_space<hbm>>
    %dma_wait3A_10 = arith.constant 0 : i32
    %dma_wait3A_11 = tpu.memref_slice %arg4[%mul3A_2, %dma_wait3A_10] : memref<16384x768xf32, #tpu.memory_space<hbm>> -> memref<512x768xf32, #tpu.memory_space<hbm>>
    tpu.wait_dma2 semaphore(%arg7 : memref<!tpu.dma_semaphore, #tpu.memory_space<semaphore_mem>>) src(%dma_wait3A_11 : memref<512x768xf32, #tpu.memory_space<hbm>>) dst(%dma_wait3A_9 : memref<512x768xf32, #tpu.memory_space<hbm>>)
    return
  }
}

</mosaic_0001>

<sc_bundles>
// kernel: kernel.3.cloned.1.call-start
scs
__scs_entry_jumppad:
0x0: {  	(pc) =	sbr.rel $0x88, $3  }
0x1: {  	(tag) =	ssettag $0x0;
	lr =	simm.s32 $0x1  }
0x2: {  	[smem:$0x3F9F] =	sst lr;
	_ =	strace $0xD0000000  }
0x3: {  	_ = 	snop  }
0x4: {  	_ = 	snop  }
0x5: {  	_ = 	snop  }
0x6: {  	_ = 	snop  }
0x7: {  	_ = 	snop  }
__scs_overlays_trampoline_lowered:
0x8: {  	[smem:$0x3FAE] =	sst s0  }
0x9: {  	[smem:$0x3FAF] =	sst s1  }
0xa: {  	[smem:$0x3FB0] =	sst s2  }
0xb: {  	[smem:$0x3FB1] =	sst s3  }
0xc: {  	[smem:$0x3FB2] =	sst s4  }
0xd: {  	[smem:$0x3FB3] =	sst s5  }
0xe: {  	[smem:$0x3FB4] =	sst s6  }
0xf: {  	[smem:$0x3FB5] =	sst s7  }
0x10: {  	[smem:$0x3FB6] =	sst s8  }
0x11: {  	[smem:$0x3FB7] =	sst s9;
	s0 =	simm.s32 @!p0 $0x0  }
0x12: {  	s1 =	sld [smem:$0x3F9D];
	s0 =	simm.s32 @p0 $0x1  }
0x13: {  	[smem:$0x3FB8] =	sst s0;
	s0 =	simm.s32 @!p1 $0x0  }
0x14: {  	s2 =	sld [smem:$0x3F9C];
	s0 =	simm.s32 @p1 $0x1  }
0x15: {  	[smem:$0x3FB9] =	sst s0;
	s0 =	simm.s32 @!p2 $0x0  }
0x16: {  	s3 =	sld [smem:$0x3FDB];
	s0 =	simm.s32 @p2 $0x1  }
0x17: {  	s4 =	simm.s32 $0x1BF5;
	[smem:$0x3FBB] =	sst s0  }
0x18: {  	s0 =	sld [smem:$0x3F9E];
	_ =	swait.ge [sflag:s4], $0x0  }
0x19: {  	s7 =	sld [smem:$0x3F9F]  }
0x1a: {  	s8 =	sadd.s32 $0xFFFFE003, lr  }
0x1b: {  	s9 =	sadd.s32 $0xFFFFFEF7, lr;
	s5 =	simm.s32 $0xFFFFFFFF;
	p2 =	slt.u32 s8, $0xFFFFF086  }
0x1c: {  	p1 =	slt.u32 s9, $0xF7A;
	s5 =	simm.s32 @!p2 $0x0  }
0x1d: {  	s5 =	simm.s32 @p1 $0x1;
	p0 =	seq.s32 s7, s2  }
0x1e: {  	s7 =	smul.u32 @!p0 $0xF7A, s2;
	p2 =	seq.s32 @!p0 s5, $0x0  }
0x1f: {  	s9 =	smul.u32 $0xF7A, s1;
	s8 =	simm.s32 @!p0 $0x1BF5;
	p2 =	por !p2, p0  }
0x20: {  	[sflag:s8] =	ssyncset.s32 @!p0 $0xFFFFF086;
	s6 =	sadd.s32 @!p0 s3, s7;
	s7 =	simm.s32 @!p0 $0x108  }
0x21: {  	s3 =	sadd.s32 s3, s9;
	s6 =	sadd.s32 @!p0 $0x88, s6;
	s7 =	simm.s32 @p2 $0x1082  }
0x22: {  	[simem:s7], [sflag:s8] =	dma.local @!p0 [hbm:s6], $0xF7A  }
0x23: {  	s9 =	sor.u32 $0xD0000000, s2;
	s6 =	simm.s32 $0x108;
	_ =	swait.ge @!p0 [sflag:s8], $0x0  }
0x24: {  	s3 =	sadd.s32 $0x88, s3;
	s6 =	simm.s32 @!p1 $0x1082;
	[sflag:s4] =	ssyncset.s32 $0xFFFFF086  }
0x25: {  	[simem:s6], [sflag:s4] =	dma.local [hbm:s3], $0xF7A  }
0x26: {  	[smem:$0x3F9F] =	sst s1;
	(tag) =	ssettag s2;
	_ =	strace s9  }
0x27: {  	s1 =	sld [smem:$0x3FAF]  }
0x28: {  	s2 =	sld [smem:$0x3FB0]  }
0x29: {  	s4 =	sld [smem:$0x3FB2]  }
0x2a: {  	p0 =	seq.s32 s5, $0x0;
	s5 =	sld [smem:$0x3FB3]  }
0x2b: {  	s6 =	sld [smem:$0x3FB4]  }
0x2c: {  	s7 =	sld [smem:$0x3FB5]  }
0x2d: {  	s3 =	simm.s32 $0x108;
	s8 =	sld [smem:$0x3FB6]  }
0x2e: {  	s3 =	simm.s32 @!p0 $0x1082;
	s9 =	sld [smem:$0x3FB7]  }
0x2f: {  	lr =	sadd.s32 s0, s3;
	s0 =	sld [smem:$0x3FAE]  }
0x30: {  	s3 =	sld [smem:$0x3FB1]  }
0x31: {  	[smem:$0x3FBA] =	sst s10  }
0x32: {  	s10 =	sld [smem:$0x3FB8];
	_ =	sdelay $0x3  }
0x33: {  	p0 =	seq.s32 s10, $0x1;
	s10 =	sld [smem:$0x3FBA];
	_ =	sdelay $0x3  }
0x34: {  	[smem:$0x3FBA] =	sst s10  }
0x35: {  	s10 =	sld [smem:$0x3FB9];
	_ =	sdelay $0x3  }
0x36: {  	p1 =	seq.s32 s10, $0x1;
	s10 =	sld [smem:$0x3FBA];
	_ =	sdelay $0x3  }
0x37: {  	[smem:$0x3FBA] =	sst s10  }
0x38: {  	s10 =	sld [smem:$0x3FBB]  }
0x39: {  	_ = 	snop;
	(pc) =	sbr.ind lr, $3  }
0x3a: {  	_ = 	snop  }
0x3b: {  	_ = 	snop  }
0x3c: {  	p2 =	seq.s32 s10, $0x1;
	s10 =	sld [smem:$0x3FBA]  }
0x3d: {  	_ =	shalt  }
0x3e: {  	_ =	shalt  }
0x3f: {  	_ =	shalt  }
0x40: {  	_ =	shalt  }
0x41: {  	_ =	shalt  }
0x42: {  	_ =	shalt  }
0x43: {  	_ =	shalt  }
0x44: {  	_ =	shalt  }
0x45: {  	_ =	shalt  }
0x46: {  	_ =	shalt  }
0x47: {  	_ =	shalt  }
0x48: {  	_ =	shalt  }
0x49: {  	_ =	shalt  }
0x4a: {  	_ =	shalt  }
0x4b: {  	_ =	shalt  }
0x4c: {  	_ =	shalt  }
0x4d: {  	_ =	shalt  }
0x4e: {  	_ =	shalt  }
0x4f: {  	_ =	shalt  }
0x50: {  	_ =	shalt  }
0x51: {  	_ =	shalt  }
0x52: {  	_ =	shalt  }
0x53: {  	_ =	shalt  }
0x54: {  	_ =	shalt  }
0x55: {  	_ =	shalt  }
0x56: {  	_ =	shalt  }
0x57: {  	_ =	shalt  }
0x58: {  	_ =	shalt  }
0x59: {  	_ =	shalt  }
0x5a: {  	_ =	shalt  }
0x5b: {  	_ =	shalt  }
0x5c: {  	_ =	shalt  }
0x5d: {  	_ =	shalt  }
0x5e: {  	_ =	shalt  }
0x5f: {  	_ =	shalt  }
0x60: {  	_ =	shalt  }
0x61: {  	_ =	shalt  }
0x62: {  	_ =	shalt  }
0x63: {  	_ =	shalt  }
0x64: {  	_ =	shalt  }
0x65: {  	_ =	shalt  }
0x66: {  	_ =	shalt  }
0x67: {  	_ =	shalt  }
0x68: {  	_ =	shalt  }
0x69: {  	_ =	shalt  }
0x6a: {  	_ =	shalt  }
0x6b: {  	_ =	shalt  }
0x6c: {  	_ =	shalt  }
0x6d: {  	_ =	shalt  }
0x6e: {  	_ =	shalt  }
0x6f: {  	_ =	shalt  }
0x70: {  	_ =	shalt  }
0x71: {  	_ =	shalt  }
0x72: {  	_ =	shalt  }
0x73: {  	_ =	shalt  }
0x74: {  	_ =	shalt  }
0x75: {  	_ =	shalt  }
0x76: {  	_ =	shalt  }
0x77: {  	_ =	shalt  }
0x78: {  	_ =	shalt  }
0x79: {  	_ =	shalt  }
0x7a: {  	_ =	shalt  }
0x7b: {  	_ =	shalt  }
0x7c: {  	_ =	shalt  }
0x7d: {  	_ =	shalt  }
0x7e: {  	_ =	shalt  }
0x7f: {  	_ =	shalt  }
0x80: {  	_ =	shalt  }
0x81: {  	_ =	shalt  }
0x82: {  	_ =	shalt  }
0x83: {  	_ =	shalt  }
0x84: {  	_ =	shalt  }
0x85: {  	_ =	shalt  }
0x86: {  	_ =	shalt  }
0x87: {  	_ =	shalt  }
.Lfunc_end0:
.L_simem_size_0:
called_computation_lowered:
.L_overlay_start_0:
0x88: {  	s2 =	sld [smem:$0x3FD9]  }
0x89: {  	s3 =	sld [smem:$0x3FFE];
	_ =	sdelay $0x1  }
0x8a: {  	s1 =	srdreg.scid  }
0x8b: {  	s0 =	sand.u32 $0x1, s1  }
0x8c: {  	s17 =	sshll.u32 s0, $0xA;
	s2 =	sadd.s32 s3, s2  }
0x8d: {  	s2 =	sadd.s32 s2, s17  }
0x8e: {  	[smem:$0x3FC6] =	sst s2  }
0x8f: {  	_ = 	snop  }
0x90: {  	s2 =	sld [smem:$0x3FC8]  }
0x91: {  	s18 =	sld [smem:$0x3FD0];
	(tm) =	ssettm $0x1  }
0x92: {  	s4 =	sld [smem:$0x3FFB];
	_ =	sdelay $0x3  }
0x93: {  	_ =	strace s4  }
0x94: {  	s4 =	sld [smem:$0x3FFC];
	_ =	sdelay $0x3  }
0x95: {  	_ =	strace s4  }
0x96: {  	s4 =	sld [smem:$0x3FFD];
	_ =	sdelay $0x3  }
0x97: {  	_ =	strace s4  }
0x98: {  	_ =	strace $0x8FFFFFFF  }
0x99: {  	s19 =	sld [smem:$0x3FDB];
	_ =	sdelay $0x1  }
0x9a: {  	s5 =	simm.s32 $_scs_section_size  }
0x9b: {  	s6 =	simm.s32 $_size__tile_overlayer_lowered;
	s7 =	simm.s32 $_tile_overlayer_lowered  }
0x9c: {  	s22 =	simm.s32 $0x1BFF;
	s21 =	sshll.u32 s7, $0x1;
	s4 =	sadd.s32 s5, s19  }
0x9d: {  	s8 =	simm.s32 $0x0;
	s20 =	sshll.u32 s6, $0x1;
	s6 =	sadd.s32 s21, s4  }
0x9e: {  	[timem:s8], [sflag:s22] =	dma.local [hbm:s6], s20  }
0x9f: {  	_ =	swait.ge [sflag:s22], s20  }
0xa0: {  	s5 =	ssub.s32 $0x0, s20;
	[sflag:s22] =	ssyncset.done $0x0  }
0xa1: {  	[sflag:s22] =	ssyncadd.s32 s5;
	_ =	sdelay $0x1  }
0xa2: {  	s23 =	simm.s32 $0x1B8B  }
0xa3: {  	_ =	swait.ge [sflag:s23], $0x1  }
0xa4: {  	[sflag:s23] =	ssyncset.done $0x0  }
0xa5: {  	s25 =	simm.s32 $0x1B8E;
	s24 =	sld [smem:$0x3FFE];
	[sflag:s23] =	ssyncadd.s32 $0xFFFFFFFF  }
0xa6: {  	s26 =	simm.s32 $execute0_lowered;
	[smem:$0x3FD2] =	sst s25  }
0xa7: {  	s6 =	sshll.u32 s26, $0x1;
	_ =	strace $0x80000046;
	[dreg:$0x1] =	wrdreg $0xFFFFFFFF  }
0xa8: {  	s28 =	simm.s32 $_size_execute0_lowered;
	s4 =	sadd.s32 s4, s6;
	[dreg:$0x0] =	wrdreg $0x0  }
0xa9: {  	s6 =	sshll.u32 s28, $0x1;
	[dreg:$0x2] =	wrdreg s4  }
0xaa: {  	[dreg:$0x3] =	wrdreg s6  }
0xab: {  	[dreg:$0x4] =	wrdreg $0xC0  }
0xac: {  	_ =	task [dreg:s8], $0x5FFFF  }
0xad: {  	[dreg:$0x1] =	wrdreg $0xFFFFFFFF  }
0xae: {  	[dreg:$0x0] =	wrdreg $0x60  }
0xaf: {  	[dreg:$0x2] =	wrdreg s24  }
0xb0: {  	[dreg:$0x3] =	wrdreg s2  }
0xb1: {  	[dreg:$0x4] =	wrdreg s18  }
0xb2: {  	[dreg:$0x5] =	wrdreg $0x9  }
0xb3: {  	_ =	task.clear_ibuf [dreg:s8], $0x6FFFF;
	_ =	strace $0x90000046  }
0xb4: {  	s29 =	simm.s32 $0x9;
	_ =	strace $0x80000048  }
0xb5: {  	_ =	swait.ge [sflag:s29], $0x1  }
0xb6: {  	[sflag:s29] =	ssyncadd.s32 $0xFFFFFFFF  }
0xb7: {  	_ =	strace $0x90000048  }
0xb8: {  	_ =	sfence  }
0xb9: {  	s30 =	sld [smem:$0x0];
	_ =	sdelay $0x2  }
0xba: {  	s31 =	sshll.u32 s1, $0xD;
	s1 =	sshrl.u32 s1, $0x2  }
0xbb: {  	s3 =	sand.u32 $0x4000, s31;
	s1 =	sadd.s32 s1, s30  }
0xbc: {  	s0 =	sor.u32 s3, s0;
	s1 =	sshll.u32 s1, $0x11  }
0xbd: {  	s0 =	sor.u32 s1, s0  }
0xbe: {  	s0 =	sadd.s32 $0x8F2B, s0  }
0xbf: {  	[sflag:s0] =	ssyncadd.remote.s32 $0x1  }
0xc0: {  	_ =	sfence.sel $0xFFFF  }
0xc1: {  	[dreg:$0x0] =	wrdreg $0xFFFFFFFF;
	(pc) =	sbr.abs _section_cstart, $3  }
0xc2: {  	[dreg:$0x1] =	wrdreg $0xFFFFFFFF  }
0xc3: {  	_ =	task.clear_ibuf [dreg:s8], $0x2FFFF;
	_ =	strace $0x9FFFFFFF  }
0xc4: {  	(tm) =	ssettm $0x7FFFFFFF  }
0xc5: {  	_ =	shalt  }
tec
execute0_lowered:
.L_overlay_start_1:
0x0: {  	(tag) =	ssettag $0x1  }
0x1: {  	s4 =	rddreg [dreg:$0x0]  }
0x2: {  	s2 =	rddreg [dreg:$0x1]  }
0x3: {  	s5 =	rddreg [dreg:$0x2]  }
0x4: {  	s3 =	srdreg.scid;
	s1 =	stileid.u32  }
0x5: {  	s0 =	rddreg [dreg:$0x3];
	s11 =	simm.s32 $0x0;
	s6 =	sand.u32 $0x1, s3  }
0x6: {  	s7 =	sshll.u32 s1, $0x8;
	s9 =	sshll.u32 s1, $0xA;
	s3 =	simm.s32 $0x0  }
0x7: {  	s8 =	sshll.u32 s6, $0x7;
	s10 =	sshll.u32 s6, $0x9;
	[smem:$0x7FF] =	sst s3  }
0x8: {  	s6 =	ssub.s32 $0x2, s6;
	s7 =	sor.u32 s8, s7;
	s29 =	sor.u32 s10, s9  }
0x9: {  	_ =	strace $0x80000047;
	s7 =	sor.u32 s7, s9;
	s8 =	sshrl.u32 s29, $0x3  }
0xa: {  	s30 =	sshrl.u32 s6, $0x1;
	s7 =	sand.u32 $0x3380, s7;
	s8 =	smul.u32 $0x300, s8  }
0xb: {  	s10 =	simm.s32 $0x1;
	s6 =	ssub.s32 s6, s30;
	s7 =	sshrl.u32 s7, $0x3  }
0xc: {  	s9 =	simm.s32 $0x400;
	s4 =	sadd.s32 s7, s4;
	s31 =	sadd.s32 s8, s5  }
0xd: {  	s5 =	smax.u32 s6, $0x1;
	s6 =	simm.s32 $0x200;
	s7 =	simm.s32 $0x2  }
0xe: {  	s8 =	simm.s32 $0x80;
	s4 =	sadd.s32 $0x400, s4;
	[dreg:$0x4] =	wrdreg s31  }
.LBB2_1:
0xf: {  	[tilespmem:s6], [sflag:$0x2] =	stream.linear.gather [hbm4b:s2+s3], $0x1800, $0x38;
	[tilespmem:$0x1A00] =	vst v63  }
0x10: {  	_ =	swait.ge [sflag:s7], $0x1800  }
0x11: {  	[sflag:s7] =	ssyncset.done $0x0  }
0x12: {  	[sflag:s7] =	ssyncadd.s32 $0xFFFFE800  }
0x13: {  	[tilespmem:s3], [sflag:$0x2] =	stream.strided.gather [hbm4b:s4+s8], $0x200, s9, s8, $0x38;
	[tilespmem:$0x1A00] =	vst v63  }
0x14: {  	_ =	swait.ge [sflag:s7], $0x200  }
0x15: {  	[sflag:s7] =	ssyncset.done $0x0  }
0x16: {  	s12 =	simm.s32 $0x0;
	s13 =	simm.s32 $0x0;
	[sflag:s7] =	ssyncadd.s32 $0xFFFFFE00  }
.LBB2_2:
0x17: {  	v0 =	vld [tilespmem:s12+$0x0];
	_ =	sdelay $0x4  }
0x18: {  	(v2sf) =	vpush v0, $0x0;
	_ =	sdelay $0xe  }
0x19: {  	s14 =	spop (v2sf)  }
0x1a: {  	(v2sf) =	vpush v0, $0x1;
	s15 =	sshrl.u32 s14, $0x3  }
0x1b: {  	s15 =	smul.u32 $0x6000, s15  }
0x1c: {  	s14 =	sshll.u32 s14, $0x7  }
0x1d: {  	s14 =	sand.u32 $0x380, s14;
	s15 =	sshra.s32 s15, $0x2  }
0x1e: {  	s16 =	rddreg [dreg:$0x4];
	s15 =	sor.u32 s14, s15  }
0x1f: {  	s14 =	sadd.s32 s13, s16;
	s23 =	sadd.s32 $0x200, s15  }
0x20: {  	[hbm4b:s14+s3] =	stream.linear.scatter [tilespmem:s23], [sflag:$0x1], $0x80, $0x38;
	[tilespmem:$0x1A00] =	vst v63  }
0x21: {  	s24 =	sadd.s32 $0x600, s15;
	s17 =	sadd.s32 $0x80, s14  }
0x22: {  	[hbm4b:s17+s3] =	stream.linear.scatter [tilespmem:s24], [sflag:$0x1], $0x80, $0x38;
	[tilespmem:$0x1A00] =	vst v63  }
0x23: {  	s25 =	sadd.s32 $0xA00, s15;
	s26 =	sadd.s32 $0x100, s14  }
0x24: {  	[hbm4b:s26+s3] =	stream.linear.scatter [tilespmem:s25], [sflag:$0x1], $0x80, $0x38;
	[tilespmem:$0x1A00] =	vst v63  }
0x25: {  	s28 =	sadd.s32 $0xE00, s15;
	s29 =	sadd.s32 $0x180, s14  }
0x26: {  	[hbm4b:s29+s3] =	stream.linear.scatter [tilespmem:s28], [sflag:$0x1], $0x80, $0x38;
	[tilespmem:$0x1A00] =	vst v63  }
0x27: {  	s30 =	sadd.s32 $0x1200, s15;
	s31 =	sadd.s32 $0x200, s14  }
0x28: {  	[hbm4b:s31+s3] =	stream.linear.scatter [tilespmem:s30], [sflag:$0x1], $0x80, $0x38;
	[tilespmem:$0x1A00] =	vst v63  }
0x29: {  	s19 =	spop (v2sf)  }
0x2a: {  	s15 =	sadd.s32 $0x1600, s15;
	s18 =	sadd.s32 $0x280, s14;
	s20 =	sshrl.u32 s19, $0x3  }
0x2b: {  	(v2sf) =	vpush v0, $0x2;
	[hbm4b:s18+s3] =	stream.linear.scatter [tilespmem:s15], [sflag:$0x1], $0x80, $0x38;
	[tilespmem:$0x1A00] =	vst v63  }
0x2c: {  	s16 =	smul.u32 $0x6000, s20  }
0x2d: {  	s15 =	sshll.u32 s19, $0x7  }
0x2e: {  	s15 =	sand.u32 $0x380, s15;
	s16 =	sshra.s32 s16, $0x2  }
0x2f: {  	s15 =	sor.u32 s15, s16  }
0x30: {  	s21 =	sadd.s32 $0x10, s14;
	s22 =	sadd.s32 $0x200, s15  }
0x31: {  	[hbm4b:s21+s3] =	stream.linear.scatter [tilespmem:s22], [sflag:$0x1], $0x80, $0x38;
	[tilespmem:$0x1A00] =	vst v63  }
0x32: {  	s24 =	sadd.s32 $0x90, s14;
	s23 =	sadd.s32 $0x600, s15  }
0x33: {  	[hbm4b:s24+s3] =	stream.linear.scatter [tilespmem:s23], [sflag:$0x1], $0x80, $0x38;
	[tilespmem:$0x1A00] =	vst v63  }
0x34: {  	s26 =	sadd.s32 $0x110, s14;
	s25 =	sadd.s32 $0xA00, s15  }
0x35: {  	[hbm4b:s26+s3] =	stream.linear.scatter [tilespmem:s25], [sflag:$0x1], $0x80, $0x38;
	[tilespmem:$0x1A00] =	vst v63  }
0x36: {  	s29 =	sadd.s32 $0x190, s14;
	s28 =	sadd.s32 $0xE00, s15  }
0x37: {  	[hbm4b:s29+s3] =	stream.linear.scatter [tilespmem:s28], [sflag:$0x1], $0x80, $0x38;
	[tilespmem:$0x1A00] =	vst v63  }
0x38: {  	s31 =	sadd.s32 $0x210, s14;
	s30 =	sadd.s32 $0x1200, s15  }
0x39: {  	[hbm4b:s31+s3] =	stream.linear.scatter [tilespmem:s30], [sflag:$0x1], $0x80, $0x38;
	[tilespmem:$0x1A00] =	vst v63  }
0x3a: {  	s19 =	spop (v2sf)  }
0x3b: {  	s18 =	sadd.s32 $0x290, s14;
	s15 =	sadd.s32 $0x1600, s15;
	s20 =	sshrl.u32 s19, $0x3  }
0x3c: {  	(v2sf) =	vpush v0, $0x3;
	[hbm4b:s18+s3] =	stream.linear.scatter [tilespmem:s15], [sflag:$0x1], $0x80, $0x38;
	[tilespmem:$0x1A00] =	vst v63  }
0x3d: {  	s16 =	smul.u32 $0x6000, s20  }
0x3e: {  	s15 =	sshll.u32 s19, $0x7  }
0x3f: {  	s15 =	sand.u32 $0x380, s15;
	s16 =	sshra.s32 s16, $0x2  }
0x40: {  	s15 =	sor.u32 s15, s16  }
0x41: {  	s21 =	sadd.s32 $0x20, s14;
	s22 =	sadd.s32 $0x200, s15  }
0x42: {  	[hbm4b:s21+s3] =	stream.linear.scatter [tilespmem:s22], [sflag:$0x1], $0x80, $0x38;
	[tilespmem:$0x1A00] =	vst v63  }
0x43: {  	s24 =	sadd.s32 $0xA0, s14;
	s23 =	sadd.s32 $0x600, s15  }
0x44: {  	[hbm4b:s24+s3] =	stream.linear.scatter [tilespmem:s23], [sflag:$0x1], $0x80, $0x38;
	[tilespmem:$0x1A00] =	vst v63  }
0x45: {  	s26 =	sadd.s32 $0x120, s14;
	s25 =	sadd.s32 $0xA00, s15  }
0x46: {  	[hbm4b:s26+s3] =	stream.linear.scatter [tilespmem:s25], [sflag:$0x1], $0x80, $0x38;
	[tilespmem:$0x1A00] =	vst v63  }
0x47: {  	s29 =	sadd.s32 $0x1A0, s14;
	s28 =	sadd.s32 $0xE00, s15  }
0x48: {  	[hbm4b:s29+s3] =	stream.linear.scatter [tilespmem:s28], [sflag:$0x1], $0x80, $0x38;
	[tilespmem:$0x1A00] =	vst v63  }
0x49: {  	s31 =	sadd.s32 $0x220, s14;
	s30 =	sadd.s32 $0x1200, s15  }
0x4a: {  	[hbm4b:s31+s3] =	stream.linear.scatter [tilespmem:s30], [sflag:$0x1], $0x80, $0x38;
	[tilespmem:$0x1A00] =	vst v63  }
0x4b: {  	s19 =	spop (v2sf)  }
0x4c: {  	s18 =	sadd.s32 $0x2A0, s14;
	s15 =	sadd.s32 $0x1600, s15;
	s20 =	sshrl.u32 s19, $0x3  }
0x4d: {  	(v2sf) =	vpush v0, $0x4;
	[hbm4b:s18+s3] =	stream.linear.scatter [tilespmem:s15], [sflag:$0x1], $0x80, $0x38;
	[tilespmem:$0x1A00] =	vst v63  }
0x4e: {  	s16 =	smul.u32 $0x6000, s20  }
0x4f: {  	s15 =	sshll.u32 s19, $0x7  }
0x50: {  	s15 =	sand.u32 $0x380, s15;
	s16 =	sshra.s32 s16, $0x2  }
0x51: {  	s15 =	sor.u32 s15, s16  }
0x52: {  	s21 =	sadd.s32 $0x30, s14;
	s22 =	sadd.s32 $0x200, s15  }
0x53: {  	[hbm4b:s21+s3] =	stream.linear.scatter [tilespmem:s22], [sflag:$0x1], $0x80, $0x38;
	[tilespmem:$0x1A00] =	vst v63  }
0x54: {  	s24 =	sadd.s32 $0xB0, s14;
	s23 =	sadd.s32 $0x600, s15  }
0x55: {  	[hbm4b:s24+s3] =	stream.linear.scatter [tilespmem:s23], [sflag:$0x1], $0x80, $0x38;
	[tilespmem:$0x1A00] =	vst v63  }
0x56: {  	s26 =	sadd.s32 $0x130, s14;
	s25 =	sadd.s32 $0xA00, s15  }
0x57: {  	[hbm4b:s26+s3] =	stream.linear.scatter [tilespmem:s25], [sflag:$0x1], $0x80, $0x38;
	[tilespmem:$0x1A00] =	vst v63  }
0x58: {  	s29 =	sadd.s32 $0x1B0, s14;
	s28 =	sadd.s32 $0xE00, s15  }
0x59: {  	[hbm4b:s29+s3] =	stream.linear.scatter [tilespmem:s28], [sflag:$0x1], $0x80, $0x38;
	[tilespmem:$0x1A00] =	vst v63  }
0x5a: {  	s31 =	sadd.s32 $0x230, s14;
	s30 =	sadd.s32 $0x1200, s15  }
0x5b: {  	[hbm4b:s31+s3] =	stream.linear.scatter [tilespmem:s30], [sflag:$0x1], $0x80, $0x38;
	[tilespmem:$0x1A00] =	vst v63  }
0x5c: {  	s19 =	spop (v2sf)  }
0x5d: {  	s18 =	sadd.s32 $0x2B0, s14;
	s15 =	sadd.s32 $0x1600, s15;
	s20 =	sshrl.u32 s19, $0x3  }
0x5e: {  	(v2sf) =	vpush v0, $0x5;
	[hbm4b:s18+s3] =	stream.linear.scatter [tilespmem:s15], [sflag:$0x1], $0x80, $0x38;
	[tilespmem:$0x1A00] =	vst v63  }
0x5f: {  	s16 =	smul.u32 $0x6000, s20  }
0x60: {  	s15 =	sshll.u32 s19, $0x7  }
0x61: {  	s15 =	sand.u32 $0x380, s15;
	s16 =	sshra.s32 s16, $0x2  }
0x62: {  	s15 =	sor.u32 s15, s16  }
0x63: {  	s21 =	sadd.s32 $0x40, s14;
	s22 =	sadd.s32 $0x200, s15  }
0x64: {  	[hbm4b:s21+s3] =	stream.linear.scatter [tilespmem:s22], [sflag:$0x1], $0x80, $0x38;
	[tilespmem:$0x1A00] =	vst v63  }
0x65: {  	s24 =	sadd.s32 $0xC0, s14;
	s23 =	sadd.s32 $0x600, s15  }
0x66: {  	[hbm4b:s24+s3] =	stream.linear.scatter [tilespmem:s23], [sflag:$0x1], $0x80, $0x38;
	[tilespmem:$0x1A00] =	vst v63  }
0x67: {  	s26 =	sadd.s32 $0x140, s14;
	s25 =	sadd.s32 $0xA00, s15  }
0x68: {  	[hbm4b:s26+s3] =	stream.linear.scatter [tilespmem:s25], [sflag:$0x1], $0x80, $0x38;
	[tilespmem:$0x1A00] =	vst v63  }
0x69: {  	s29 =	sadd.s32 $0x1C0, s14;
	s28 =	sadd.s32 $0xE00, s15  }
0x6a: {  	[hbm4b:s29+s3] =	stream.linear.scatter [tilespmem:s28], [sflag:$0x1], $0x80, $0x38;
	[tilespmem:$0x1A00] =	vst v63  }
0x6b: {  	s31 =	sadd.s32 $0x240, s14;
	s30 =	sadd.s32 $0x1200, s15  }
0x6c: {  	[hbm4b:s31+s3] =	stream.linear.scatter [tilespmem:s30], [sflag:$0x1], $0x80, $0x38;
	[tilespmem:$0x1A00] =	vst v63  }
0x6d: {  	s19 =	spop (v2sf)  }
0x6e: {  	s18 =	sadd.s32 $0x2C0, s14;
	s15 =	sadd.s32 $0x1600, s15;
	s20 =	sshrl.u32 s19, $0x3  }
0x6f: {  	(v2sf) =	vpush v0, $0x6;
	[hbm4b:s18+s3] =	stream.linear.scatter [tilespmem:s15], [sflag:$0x1], $0x80, $0x38;
	[tilespmem:$0x1A00] =	vst v63  }
0x70: {  	s16 =	smul.u32 $0x6000, s20  }
0x71: {  	s15 =	sshll.u32 s19, $0x7  }
0x72: {  	s15 =	sand.u32 $0x380, s15;
	s16 =	sshra.s32 s16, $0x2  }
0x73: {  	s15 =	sor.u32 s15, s16  }
0x74: {  	s21 =	sadd.s32 $0x50, s14;
	s22 =	sadd.s32 $0x200, s15  }
0x75: {  	[hbm4b:s21+s3] =	stream.linear.scatter [tilespmem:s22], [sflag:$0x1], $0x80, $0x38;
	[tilespmem:$0x1A00] =	vst v63  }
0x76: {  	s24 =	sadd.s32 $0xD0, s14;
	s23 =	sadd.s32 $0x600, s15  }
0x77: {  	[hbm4b:s24+s3] =	stream.linear.scatter [tilespmem:s23], [sflag:$0x1], $0x80, $0x38;
	[tilespmem:$0x1A00] =	vst v63  }
0x78: {  	s26 =	sadd.s32 $0x150, s14;
	s25 =	sadd.s32 $0xA00, s15  }
0x79: {  	[hbm4b:s26+s3] =	stream.linear.scatter [tilespmem:s25], [sflag:$0x1], $0x80, $0x38;
	[tilespmem:$0x1A00] =	vst v63  }
0x7a: {  	s29 =	sadd.s32 $0x1D0, s14;
	s28 =	sadd.s32 $0xE00, s15  }
0x7b: {  	[hbm4b:s29+s3] =	stream.linear.scatter [tilespmem:s28], [sflag:$0x1], $0x80, $0x38;
	[tilespmem:$0x1A00] =	vst v63  }
0x7c: {  	s31 =	sadd.s32 $0x250, s14;
	s30 =	sadd.s32 $0x1200, s15  }
0x7d: {  	[hbm4b:s31+s3] =	stream.linear.scatter [tilespmem:s30], [sflag:$0x1], $0x80, $0x38;
	[tilespmem:$0x1A00] =	vst v63  }
0x7e: {  	s19 =	spop (v2sf)  }
0x7f: {  	s18 =	sadd.s32 $0x2D0, s14;
	s15 =	sadd.s32 $0x1600, s15;
	s20 =	sshrl.u32 s19, $0x3  }
0x80: {  	(v2sf) =	vpush v0, $0x7;
	[hbm4b:s18+s3] =	stream.linear.scatter [tilespmem:s15], [sflag:$0x1], $0x80, $0x38;
	[tilespmem:$0x1A00] =	vst v63  }
0x81: {  	s16 =	smul.u32 $0x6000, s20  }
0x82: {  	s15 =	sshll.u32 s19, $0x7  }
0x83: {  	s15 =	sand.u32 $0x380, s15;
	s16 =	sshra.s32 s16, $0x2  }
0x84: {  	s15 =	sor.u32 s15, s16  }
0x85: {  	s21 =	sadd.s32 $0x60, s14;
	s22 =	sadd.s32 $0x200, s15  }
0x86: {  	[hbm4b:s21+s3] =	stream.linear.scatter [tilespmem:s22], [sflag:$0x1], $0x80, $0x38;
	[tilespmem:$0x1A00] =	vst v63  }
0x87: {  	s24 =	sadd.s32 $0xE0, s14;
	s23 =	sadd.s32 $0x600, s15  }
0x88: {  	[hbm4b:s24+s3] =	stream.linear.scatter [tilespmem:s23], [sflag:$0x1], $0x80, $0x38;
	[tilespmem:$0x1A00] =	vst v63  }
0x89: {  	s26 =	sadd.s32 $0x160, s14;
	s25 =	sadd.s32 $0xA00, s15  }
0x8a: {  	[hbm4b:s26+s3] =	stream.linear.scatter [tilespmem:s25], [sflag:$0x1], $0x80, $0x38;
	[tilespmem:$0x1A00] =	vst v63  }
0x8b: {  	s29 =	sadd.s32 $0x1E0, s14;
	s28 =	sadd.s32 $0xE00, s15  }
0x8c: {  	[hbm4b:s29+s3] =	stream.linear.scatter [tilespmem:s28], [sflag:$0x1], $0x80, $0x38;
	[tilespmem:$0x1A00] =	vst v63  }
0x8d: {  	s31 =	sadd.s32 $0x260, s14;
	s30 =	sadd.s32 $0x1200, s15  }
0x8e: {  	[hbm4b:s31+s3] =	stream.linear.scatter [tilespmem:s30], [sflag:$0x1], $0x80, $0x38;
	[tilespmem:$0x1A00] =	vst v63  }
0x8f: {  	s19 =	spop (v2sf)  }
0x90: {  	s18 =	sadd.s32 $0x2E0, s14;
	s15 =	sadd.s32 $0x1600, s15;
	s20 =	sshrl.u32 s19, $0x3  }
0x91: {  	(v2sf) =	vpush v0, $0x8;
	[hbm4b:s18+s3] =	stream.linear.scatter [tilespmem:s15], [sflag:$0x1], $0x80, $0x38;
	[tilespmem:$0x1A00] =	vst v63  }
0x92: {  	s16 =	smul.u32 $0x6000, s20  }
0x93: {  	s15 =	sshll.u32 s19, $0x7  }
0x94: {  	s15 =	sand.u32 $0x380, s15;
	s16 =	sshra.s32 s16, $0x2  }
0x95: {  	s15 =	sor.u32 s15, s16  }
0x96: {  	s21 =	sadd.s32 $0x70, s14;
	s22 =	sadd.s32 $0x200, s15  }
0x97: {  	[hbm4b:s21+s3] =	stream.linear.scatter [tilespmem:s22], [sflag:$0x1], $0x80, $0x38;
	[tilespmem:$0x1A00] =	vst v63  }
0x98: {  	s24 =	sadd.s32 $0xF0, s14;
	s23 =	sadd.s32 $0x600, s15  }
0x99: {  	[hbm4b:s24+s3] =	stream.linear.scatter [tilespmem:s23], [sflag:$0x1], $0x80, $0x38;
	[tilespmem:$0x1A00] =	vst v63  }
0x9a: {  	s26 =	sadd.s32 $0x170, s14;
	s25 =	sadd.s32 $0xA00, s15  }
0x9b: {  	[hbm4b:s26+s3] =	stream.linear.scatter [tilespmem:s25], [sflag:$0x1], $0x80, $0x38;
	[tilespmem:$0x1A00] =	vst v63  }
0x9c: {  	s29 =	sadd.s32 $0x1F0, s14;
	s28 =	sadd.s32 $0xE00, s15  }
0x9d: {  	[hbm4b:s29+s3] =	stream.linear.scatter [tilespmem:s28], [sflag:$0x1], $0x80, $0x38;
	[tilespmem:$0x1A00] =	vst v63  }
0x9e: {  	s31 =	sadd.s32 $0x270, s14;
	s30 =	sadd.s32 $0x1200, s15  }
0x9f: {  	[hbm4b:s31+s3] =	stream.linear.scatter [tilespmem:s30], [sflag:$0x1], $0x80, $0x38;
	[tilespmem:$0x1A00] =	vst v63  }
0xa0: {  	s19 =	spop (v2sf)  }
0xa1: {  	s18 =	sadd.s32 $0x2F0, s14;
	s15 =	sadd.s32 $0x1600, s15;
	s20 =	sshrl.u32 s19, $0x3  }
0xa2: {  	(v2sf) =	vpush v0, $0x9;
	[hbm4b:s18+s3] =	stream.linear.scatter [tilespmem:s15], [sflag:$0x1], $0x80, $0x38;
	[tilespmem:$0x1A00] =	vst v63  }
0xa3: {  	s16 =	smul.u32 $0x6000, s20  }
0xa4: {  	s15 =	sshll.u32 s19, $0x7  }
0xa5: {  	s15 =	sand.u32 $0x380, s15;
	s16 =	sshra.s32 s16, $0x2  }
0xa6: {  	s15 =	sor.u32 s15, s16  }
0xa7: {  	s21 =	sadd.s32 $0x300, s14;
	s22 =	sadd.s32 $0x200, s15  }
0xa8: {  	[hbm4b:s21+s3] =	stream.linear.scatter [tilespmem:s22], [sflag:$0x1], $0x80, $0x38;
	[tilespmem:$0x1A00] =	vst v63  }
0xa9: {  	s24 =	sadd.s32 $0x380, s14;
	s23 =	sadd.s32 $0x600, s15  }
0xaa: {  	[hbm4b:s24+s3] =	stream.linear.scatter [tilespmem:s23], [sflag:$0x1], $0x80, $0x38;
	[tilespmem:$0x1A00] =	vst v63  }
0xab: {  	s26 =	sadd.s32 $0x400, s14;
	s25 =	sadd.s32 $0xA00, s15  }
0xac: {  	[hbm4b:s26+s3] =	stream.linear.scatter [tilespmem:s25], [sflag:$0x1], $0x80, $0x38;
	[tilespmem:$0x1A00] =	vst v63  }
0xad: {  	s29 =	sadd.s32 $0x480, s14;
	s28 =	sadd.s32 $0xE00, s15  }
0xae: {  	[hbm4b:s29+s3] =	stream.linear.scatter [tilespmem:s28], [sflag:$0x1], $0x80, $0x38;
	[tilespmem:$0x1A00] =	vst v63  }
0xaf: {  	s31 =	sadd.s32 $0x500, s14;
	s30 =	sadd.s32 $0x1200, s15  }
0xb0: {  	[hbm4b:s31+s3] =	stream.linear.scatter [tilespmem:s30], [sflag:$0x1], $0x80, $0x38;
	[tilespmem:$0x1A00] =	vst v63  }
0xb1: {  	s19 =	spop (v2sf)  }
0xb2: {  	s18 =	sadd.s32 $0x580, s14;
	s15 =	sadd.s32 $0x1600, s15;
	s20 =	sshrl.u32 s19, $0x3  }
0xb3: {  	(v2sf) =	vpush v0, $0xA;
	[hbm4b:s18+s3] =	stream.linear.scatter [tilespmem:s15], [sflag:$0x1], $0x80, $0x38;
	[tilespmem:$0x1A00] =	vst v63  }
0xb4: {  	s16 =	smul.u32 $0x6000, s20  }
0xb5: {  	s15 =	sshll.u32 s19, $0x7  }
0xb6: {  	s15 =	sand.u32 $0x380, s15;
	s16 =	sshra.s32 s16, $0x2  }
0xb7: {  	s15 =	sor.u32 s15, s16  }
0xb8: {  	s21 =	sadd.s32 $0x310, s14;
	s22 =	sadd.s32 $0x200, s15  }
0xb9: {  	[hbm4b:s21+s3] =	stream.linear.scatter [tilespmem:s22], [sflag:$0x1], $0x80, $0x38;
	[tilespmem:$0x1A00] =	vst v63  }
0xba: {  	s24 =	sadd.s32 $0x390, s14;
	s23 =	sadd.s32 $0x600, s15  }
0xbb: {  	[hbm4b:s24+s3] =	stream.linear.scatter [tilespmem:s23], [sflag:$0x1], $0x80, $0x38;
	[tilespmem:$0x1A00] =	vst v63  }
0xbc: {  	s26 =	sadd.s32 $0x410, s14;
	s25 =	sadd.s32 $0xA00, s15  }
0xbd: {  	[hbm4b:s26+s3] =	stream.linear.scatter [tilespmem:s25], [sflag:$0x1], $0x80, $0x38;
	[tilespmem:$0x1A00] =	vst v63  }
0xbe: {  	s29 =	sadd.s32 $0x490, s14;
	s28 =	sadd.s32 $0xE00, s15  }
0xbf: {  	[hbm4b:s29+s3] =	stream.linear.scatter [tilespmem:s28], [sflag:$0x1], $0x80, $0x38;
	[tilespmem:$0x1A00] =	vst v63  }
0xc0: {  	s31 =	sadd.s32 $0x510, s14;
	s30 =	sadd.s32 $0x1200, s15  }
0xc1: {  	[hbm4b:s31+s3] =	stream.linear.scatter [tilespmem:s30], [sflag:$0x1], $0x80, $0x38;
	[tilespmem:$0x1A00] =	vst v63  }
0xc2: {  	s19 =	spop (v2sf)  }
0xc3: {  	s18 =	sadd.s32 $0x590, s14;
	s15 =	sadd.s32 $0x1600, s15;
	s20 =	sshrl.u32 s19, $0x3  }
0xc4: {  	(v2sf) =	vpush v0, $0xB;
	[hbm4b:s18+s3] =	stream.linear.scatter [tilespmem:s15], [sflag:$0x1], $0x80, $0x38;
	[tilespmem:$0x1A00] =	vst v63  }
0xc5: {  	s16 =	smul.u32 $0x6000, s20  }
0xc6: {  	s15 =	sshll.u32 s19, $0x7  }
0xc7: {  	s15 =	sand.u32 $0x380, s15;
	s16 =	sshra.s32 s16, $0x2  }
0xc8: {  	s15 =	sor.u32 s15, s16  }
0xc9: {  	s21 =	sadd.s32 $0x320, s14;
	s22 =	sadd.s32 $0x200, s15  }
0xca: {  	[hbm4b:s21+s3] =	stream.linear.scatter [tilespmem:s22], [sflag:$0x1], $0x80, $0x38;
	[tilespmem:$0x1A00] =	vst v63  }
0xcb: {  	s24 =	sadd.s32 $0x3A0, s14;
	s23 =	sadd.s32 $0x600, s15  }
0xcc: {  	[hbm4b:s24+s3] =	stream.linear.scatter [tilespmem:s23], [sflag:$0x1], $0x80, $0x38;
	[tilespmem:$0x1A00] =	vst v63  }
0xcd: {  	s26 =	sadd.s32 $0x420, s14;
	s25 =	sadd.s32 $0xA00, s15  }
0xce: {  	[hbm4b:s26+s3] =	stream.linear.scatter [tilespmem:s25], [sflag:$0x1], $0x80, $0x38;
	[tilespmem:$0x1A00] =	vst v63  }
0xcf: {  	s29 =	sadd.s32 $0x4A0, s14;
	s28 =	sadd.s32 $0xE00, s15  }
0xd0: {  	[hbm4b:s29+s3] =	stream.linear.scatter [tilespmem:s28], [sflag:$0x1], $0x80, $0x38;
	[tilespmem:$0x1A00] =	vst v63  }
0xd1: {  	s31 =	sadd.s32 $0x520, s14;
	s30 =	sadd.s32 $0x1200, s15  }
0xd2: {  	[hbm4b:s31+s3] =	stream.linear.scatter [tilespmem:s30], [sflag:$0x1], $0x80, $0x38;
	[tilespmem:$0x1A00] =	vst v63  }
0xd3: {  	s19 =	spop (v2sf)  }
0xd4: {  	s18 =	sadd.s32 $0x5A0, s14;
	s15 =	sadd.s32 $0x1600, s15;
	s20 =	sshrl.u32 s19, $0x3  }
0xd5: {  	(v2sf) =	vpush v0, $0xC;
	[hbm4b:s18+s3] =	stream.linear.scatter [tilespmem:s15], [sflag:$0x1], $0x80, $0x38;
	[tilespmem:$0x1A00] =	vst v63  }
0xd6: {  	s16 =	smul.u32 $0x6000, s20  }
0xd7: {  	s15 =	sshll.u32 s19, $0x7  }
0xd8: {  	s15 =	sand.u32 $0x380, s15;
	s16 =	sshra.s32 s16, $0x2  }
0xd9: {  	s15 =	sor.u32 s15, s16  }
0xda: {  	s21 =	sadd.s32 $0x330, s14;
	s22 =	sadd.s32 $0x200, s15  }
0xdb: {  	[hbm4b:s21+s3] =	stream.linear.scatter [tilespmem:s22], [sflag:$0x1], $0x80, $0x38;
	[tilespmem:$0x1A00] =	vst v63  }
0xdc: {  	s24 =	sadd.s32 $0x3B0, s14;
	s23 =	sadd.s32 $0x600, s15  }
0xdd: {  	[hbm4b:s24+s3] =	stream.linear.scatter [tilespmem:s23], [sflag:$0x1], $0x80, $0x38;
	[tilespmem:$0x1A00] =	vst v63  }
0xde: {  	s26 =	sadd.s32 $0x430, s14;
	s25 =	sadd.s32 $0xA00, s15  }
0xdf: {  	[hbm4b:s26+s3] =	stream.linear.scatter [tilespmem:s25], [sflag:$0x1], $0x80, $0x38;
	[tilespmem:$0x1A00] =	vst v63  }
0xe0: {  	s29 =	sadd.s32 $0x4B0, s14;
	s28 =	sadd.s32 $0xE00, s15  }
0xe1: {  	[hbm4b:s29+s3] =	stream.linear.scatter [tilespmem:s28], [sflag:$0x1], $0x80, $0x38;
	[tilespmem:$0x1A00] =	vst v63  }
0xe2: {  	s31 =	sadd.s32 $0x530, s14;
	s30 =	sadd.s32 $0x1200, s15  }
0xe3: {  	[hbm4b:s31+s3] =	stream.linear.scatter [tilespmem:s30], [sflag:$0x1], $0x80, $0x38;
	[tilespmem:$0x1A00] =	vst v63  }
0xe4: {  	s19 =	spop (v2sf)  }
0xe5: {  	s18 =	sadd.s32 $0x5B0, s14;
	s15 =	sadd.s32 $0x1600, s15;
	s20 =	sshrl.u32 s19, $0x3  }
0xe6: {  	(v2sf) =	vpush v0, $0xD;
	[hbm4b:s18+s3] =	stream.linear.scatter [tilespmem:s15], [sflag:$0x1], $0x80, $0x38;
	[tilespmem:$0x1A00] =	vst v63  }
0xe7: {  	s16 =	smul.u32 $0x6000, s20  }
0xe8: {  	s15 =	sshll.u32 s19, $0x7  }
0xe9: {  	s15 =	sand.u32 $0x380, s15;
	s16 =	sshra.s32 s16, $0x2  }
0xea: {  	s15 =	sor.u32 s15, s16  }
0xeb: {  	s21 =	sadd.s32 $0x340, s14;
	s22 =	sadd.s32 $0x200, s15  }
0xec: {  	[hbm4b:s21+s3] =	stream.linear.scatter [tilespmem:s22], [sflag:$0x1], $0x80, $0x38;
	[tilespmem:$0x1A00] =	vst v63  }
0xed: {  	s24 =	sadd.s32 $0x3C0, s14;
	s23 =	sadd.s32 $0x600, s15  }
0xee: {  	[hbm4b:s24+s3] =	stream.linear.scatter [tilespmem:s23], [sflag:$0x1], $0x80, $0x38;
	[tilespmem:$0x1A00] =	vst v63  }
0xef: {  	s26 =	sadd.s32 $0x440, s14;
	s25 =	sadd.s32 $0xA00, s15  }
0xf0: {  	[hbm4b:s26+s3] =	stream.linear.scatter [tilespmem:s25], [sflag:$0x1], $0x80, $0x38;
	[tilespmem:$0x1A00] =	vst v63  }
0xf1: {  	s29 =	sadd.s32 $0x4C0, s14;
	s28 =	sadd.s32 $0xE00, s15  }
0xf2: {  	[hbm4b:s29+s3] =	stream.linear.scatter [tilespmem:s28], [sflag:$0x1], $0x80, $0x38;
	[tilespmem:$0x1A00] =	vst v63  }
0xf3: {  	s31 =	sadd.s32 $0x540, s14;
	s30 =	sadd.s32 $0x1200, s15  }
0xf4: {  	[hbm4b:s31+s3] =	stream.linear.scatter [tilespmem:s30], [sflag:$0x1], $0x80, $0x38;
	[tilespmem:$0x1A00] =	vst v63  }
0xf5: {  	s19 =	spop (v2sf)  }
0xf6: {  	s18 =	sadd.s32 $0x5C0, s14;
	s15 =	sadd.s32 $0x1600, s15;
	s20 =	sshrl.u32 s19, $0x3  }
0xf7: {  	(v2sf) =	vpush v0, $0xE;
	[hbm4b:s18+s3] =	stream.linear.scatter [tilespmem:s15], [sflag:$0x1], $0x80, $0x38;
	[tilespmem:$0x1A00] =	vst v63  }
0xf8: {  	s16 =	smul.u32 $0x6000, s20  }
0xf9: {  	s15 =	sshll.u32 s19, $0x7  }
0xfa: {  	s15 =	sand.u32 $0x380, s15;
	s16 =	sshra.s32 s16, $0x2  }
0xfb: {  	s15 =	sor.u32 s15, s16  }
0xfc: {  	s21 =	sadd.s32 $0x350, s14;
	s22 =	sadd.s32 $0x200, s15  }
0xfd: {  	[hbm4b:s21+s3] =	stream.linear.scatter [tilespmem:s22], [sflag:$0x1], $0x80, $0x38;
	[tilespmem:$0x1A00] =	vst v63  }
0xfe: {  	s24 =	sadd.s32 $0x3D0, s14;
	s23 =	sadd.s32 $0x600, s15  }
0xff: {  	[hbm4b:s24+s3] =	stream.linear.scatter [tilespmem:s23], [sflag:$0x1], $0x80, $0x38;
	[tilespmem:$0x1A00] =	vst v63  }
0x100: {  	s26 =	sadd.s32 $0x450, s14;
	s25 =	sadd.s32 $0xA00, s15  }
0x101: {  	[hbm4b:s26+s3] =	stream.linear.scatter [tilespmem:s25], [sflag:$0x1], $0x80, $0x38;
	[tilespmem:$0x1A00] =	vst v63  }
0x102: {  	s29 =	sadd.s32 $0x4D0, s14;
	s28 =	sadd.s32 $0xE00, s15  }
0x103: {  	[hbm4b:s29+s3] =	stream.linear.scatter [tilespmem:s28], [sflag:$0x1], $0x80, $0x38;
	[tilespmem:$0x1A00] =	vst v63  }
0x104: {  	s31 =	sadd.s32 $0x550, s14;
	s30 =	sadd.s32 $0x1200, s15  }
0x105: {  	[hbm4b:s31+s3] =	stream.linear.scatter [tilespmem:s30], [sflag:$0x1], $0x80, $0x38;
	[tilespmem:$0x1A00] =	vst v63  }
0x106: {  	s19 =	spop (v2sf)  }
0x107: {  	s18 =	sadd.s32 $0x5D0, s14;
	s15 =	sadd.s32 $0x1600, s15;
	s20 =	sshrl.u32 s19, $0x3  }
0x108: {  	(v2sf) =	vpush v0, $0xF;
	[hbm4b:s18+s3] =	stream.linear.scatter [tilespmem:s15], [sflag:$0x1], $0x80, $0x38;
	[tilespmem:$0x1A00] =	vst v63  }
0x109: {  	s16 =	smul.u32 $0x6000, s20  }
0x10a: {  	s15 =	sshll.u32 s19, $0x7  }
0x10b: {  	s15 =	sand.u32 $0x380, s15;
	s16 =	sshra.s32 s16, $0x2  }
0x10c: {  	s15 =	sor.u32 s15, s16  }
0x10d: {  	s21 =	sadd.s32 $0x360, s14;
	s22 =	sadd.s32 $0x200, s15  }
0x10e: {  	[hbm4b:s21+s3] =	stream.linear.scatter [tilespmem:s22], [sflag:$0x1], $0x80, $0x38;
	[tilespmem:$0x1A00] =	vst v63  }
0x10f: {  	s24 =	sadd.s32 $0x3E0, s14;
	s23 =	sadd.s32 $0x600, s15  }
0x110: {  	[hbm4b:s24+s3] =	stream.linear.scatter [tilespmem:s23], [sflag:$0x1], $0x80, $0x38;
	[tilespmem:$0x1A00] =	vst v63  }
0x111: {  	s26 =	sadd.s32 $0x460, s14;
	s25 =	sadd.s32 $0xA00, s15  }
0x112: {  	[hbm4b:s26+s3] =	stream.linear.scatter [tilespmem:s25], [sflag:$0x1], $0x80, $0x38;
	[tilespmem:$0x1A00] =	vst v63  }
0x113: {  	s29 =	sadd.s32 $0x4E0, s14;
	s28 =	sadd.s32 $0xE00, s15  }
0x114: {  	[hbm4b:s29+s3] =	stream.linear.scatter [tilespmem:s28], [sflag:$0x1], $0x80, $0x38;
	[tilespmem:$0x1A00] =	vst v63  }
0x115: {  	s31 =	sadd.s32 $0x560, s14;
	s30 =	sadd.s32 $0x1200, s15  }
0x116: {  	[hbm4b:s31+s3] =	stream.linear.scatter [tilespmem:s30], [sflag:$0x1], $0x80, $0x38;
	[tilespmem:$0x1A00] =	vst v63  }
0x117: {  	s19 =	spop (v2sf)  }
0x118: {  	s18 =	sadd.s32 $0x5E0, s14;
	s15 =	sadd.s32 $0x1600, s15;
	s20 =	sshrl.u32 s19, $0x3  }
0x119: {  	[hbm4b:s18+s3] =	stream.linear.scatter [tilespmem:s15], [sflag:$0x1], $0x80, $0x38;
	[tilespmem:$0x1A00] =	vst v63  }
0x11a: {  	s16 =	smul.u32 $0x6000, s20  }
0x11b: {  	s15 =	sshll.u32 s19, $0x7  }
0x11c: {  	s15 =	sand.u32 $0x380, s15;
	s16 =	sshra.s32 s16, $0x2  }
0x11d: {  	s15 =	sor.u32 s15, s16  }
0x11e: {  	s21 =	sadd.s32 $0x370, s14;
	s22 =	sadd.s32 $0x200, s15  }
0x11f: {  	[hbm4b:s21+s3] =	stream.linear.scatter [tilespmem:s22], [sflag:$0x1], $0x80, $0x38;
	[tilespmem:$0x1A00] =	vst v63  }
0x120: {  	s24 =	sadd.s32 $0x3F0, s14;
	s23 =	sadd.s32 $0x600, s15  }
0x121: {  	[hbm4b:s24+s3] =	stream.linear.scatter [tilespmem:s23], [sflag:$0x1], $0x80, $0x38;
	[tilespmem:$0x1A00] =	vst v63  }
0x122: {  	s26 =	sadd.s32 $0x470, s14;
	s25 =	sadd.s32 $0xA00, s15  }
0x123: {  	[hbm4b:s26+s3] =	stream.linear.scatter [tilespmem:s25], [sflag:$0x1], $0x80, $0x38;
	[tilespmem:$0x1A00] =	vst v63  }
0x124: {  	p0 =	sne.s32 s13, $0xBA00;
	s29 =	sadd.s32 $0x4F0, s14;
	s28 =	sadd.s32 $0xE00, s15  }
0x125: {  	[hbm4b:s29+s3] =	stream.linear.scatter [tilespmem:s28], [sflag:$0x1], $0x80, $0x38;
	[tilespmem:$0x1A00] =	vst v63  }
.Ltmp0:
0x126: {  	_ = 	snop;
	(pc) =	sbr.rel @p0 .LBB2_2-.Ltmp0, $4  }
0x127: {  	s12 =	sadd.s32 $0x10, s12;
	s31 =	sadd.s32 $0x570, s14;
	s30 =	sadd.s32 $0x1200, s15  }
0x128: {  	[hbm4b:s31+s3] =	stream.linear.scatter [tilespmem:s30], [sflag:$0x1], $0x80, $0x38;
	[tilespmem:$0x1A00] =	vst v63  }
0x129: {  	s13 =	sadd.s32 $0x600, s13;
	s14 =	sadd.s32 $0x5F0, s14;
	s15 =	sadd.s32 $0x1600, s15  }
0x12a: {  	[hbm4b:s14+s3] =	stream.linear.scatter [tilespmem:s15], [sflag:$0x1], $0x80, $0x38;
	[tilespmem:$0x1A00] =	vst v63  }
0x12b: {  	s11 =	sadd.s32 $0x1, s11  }
0x12c: {  	p0 =	sne.s32 s11, s5  }
.Ltmp1:
0x12d: {  	_ = 	snop;
	(pc) =	sbr.rel @p0 .LBB2_1-.Ltmp1, $4  }
0x12e: {  	_ = 	snop  }
0x12f: {  	_ =	swait.ge [sflag:s10], $0xC000  }
0x130: {  	[sflag:s10] =	ssyncset.done $0x0  }
0x131: {  	[sflag:s10] =	ssyncadd.s32 $0xFFFF4000  }
0x132: {  	_ =	sfence.sel $0x180000  }
0x133: {  	[bflag:$0x0] =	sbarrier.arrive $0xFFFF  }
0x134: {  	p0 =	sne.s32 s1, $0x0;
	_ =	strace $0x90000047  }
0x135: {  	s0 =	sadd.s32 @!p0 $0x100000, s0;
	[bflag:$0x2] =	sbarrier.arrive $0xFFFF  }
0x136: {  	[sflag:s0] =	ssyncadd.tile.s32 @!p0 $0x1;
	_ =	shalt  }
.Lfunc_end2:
_tile_overlayer_lowered:
.L_overlay_start_2:
0x137: {  	(tag) =	ssettag $0x2  }
0x138: {  	s0 =	rddreg [dreg:$0x0];
	s2 =	stileid.u32  }
0x139: {  	s1 =	rddreg [dreg:$0x1];
	p0 =	sne.s32 s2, $0x0  }
0x13a: {  	s3 =	rddreg [dreg:$0x2];
	[bflag:$0x3] =	sbarrier.arrive $0xFFFF;
	s2 =	simm.s32 @!p0 $0x1C02  }
0x13b: {  	[timem:s3], [sflag:s2] =	dma.local @!p0 [hbm:s0], s1  }
0x13c: {  	s0 =	simm.s32 @!p0 $0x2  }
0x13d: {  	_ =	swait.ge @!p0 [sflag:s0], s1  }
0x13e: {  	s1 =	ssub.s32 @!p0 $0x0, s1;
	[sflag:s0] =	ssyncset.done @!p0 $0x0  }
0x13f: {  	[sflag:s0] =	ssyncadd.s32 @!p0 s1  }
0x140: {  	[bflag:$0x3] =	sbarrier.arrive $0xFFFF  }
0x141: {  	_ =	shalt  }

</sc_bundles>
